<compile_context>
chip_gen: v7x
topology: tpu7x:2x2x1
jax: 0.10.2.dev20260603
libtpu: 0.0.44.dev20260713+nightly
codegen_flags: <defaults>
</compile_context>

<pallas_src>
import functools

import jax
import jax.numpy as jnp
from jax import lax
from jax.experimental import pallas as pl
from jax.experimental.pallas import tpu as pltpu
from jax.experimental.pallas import tpu_sc as plsc

NPOINT = 512
LANES = 16
BIG = 1e10


def _fps_body(xx_hbm, xy_hbm, xz_hbm, yx_hbm, yy_hbm, yz_hbm,
              xx_v, xy_v, xz_v, dst_v, pub_v, rd_v, idx_v,
              yx_s, yy_s, yz_s, shr):
    n = xx_v.shape[0]
    chunk_n = dst_v.shape[0]
    n_chunks = n // chunk_n
    n_slices = chunk_n // LANES

    c = lax.axis_index("c")
    sid = lax.axis_index("s")
    b_loc = sid // 8
    chunk = sid % 8
    batch = c * 2 + b_loc
    base = chunk * chunk_n

    pltpu.sync_copy(xx_hbm.at[batch], xx_v)
    pltpu.sync_copy(xy_hbm.at[batch], xy_v)
    pltpu.sync_copy(xz_hbm.at[batch], xz_v)

    def init_body(i, carry):
        dst_v[pl.ds(i * LANES, LANES)] = jnp.full((LANES,), BIG, jnp.float32)
        return carry
    lax.fori_loop(0, n_slices, init_body, 0)

    lanes = lax.broadcasted_iota(jnp.int32, (LANES,), 0)

    def step(s, w):
        cxv = plsc.load_gather(xx_v, [w])
        cyv = plsc.load_gather(xy_v, [w])
        czv = plsc.load_gather(xz_v, [w])

        row = (s // LANES) * LANES
        iv = idx_v[pl.ds(row, LANES)]
        idx_v[pl.ds(row, LANES)] = jnp.where(lanes == (s % LANES), w, iv)

        ninf = jnp.full((LANES,), -1.0, jnp.float32)
        zi = jnp.zeros((LANES,), jnp.int32)

        def inner(i, carry):
            accs = list(carry)
            for j in range(4):
                off = base + i * LANES + j * LANES
                dx = xx_v[pl.ds(off, LANES)] - cxv
                dy = xy_v[pl.ds(off, LANES)] - cyv
                dz = xz_v[pl.ds(off, LANES)] - czv
                d = dx * dx + dy * dy + dz * dz
                doff = i * LANES + j * LANES
                nd = jnp.minimum(dst_v[pl.ds(doff, LANES)], d)
                dst_v[pl.ds(doff, LANES)] = nd
                av, ai = accs[2 * j], accs[2 * j + 1]
                upd = nd > av
                accs[2 * j] = jnp.where(upd, nd, av)
                accs[2 * j + 1] = jnp.where(
                    upd, jnp.full((LANES,), i + j, jnp.int32), ai)
            return tuple(accs)

        accs = plsc.parallel_loop(
            0, n_slices, step=4, unroll=2,
            carry=(ninf, zi, ninf, zi, ninf, zi, ninf, zi))(inner)

        maxv, maxi = accs[0], accs[1]
        for j in range(1, 4):
            av, ai = accs[2 * j], accs[2 * j + 1]
            upd = jnp.logical_or(
                av > maxv, jnp.logical_and(av == maxv, ai < maxi))
            maxv = jnp.where(upd, av, maxv)
            maxi = jnp.where(upd, ai, maxi)

        m = jnp.max(maxv)
        mv = jnp.full((LANES,), m, jnp.float32)
        gidx = base + maxi * LANES + lanes
        cand = jnp.where(maxv == mv, gidx, jnp.int32(0x7FFFFFFF))
        li = jnp.min(cand)
        liv = jnp.full((LANES,), li, jnp.int32)

        pub_v[pl.ds(0, LANES)] = mv
        pub_v[pl.ds(LANES, LANES)] = plsc.bitcast(liv, jnp.float32)
        p = s % 2
        slot = (p * 2 + b_loc) * n_chunks + chunk
        pltpu.sync_copy(pub_v, shr.at[pl.ds(slot * 2 * LANES, 2 * LANES)])
        plsc.subcore_barrier()
        blk = (p * 2 + b_loc) * n_chunks * 2 * LANES
        pltpu.sync_copy(shr.at[pl.ds(blk, n_chunks * 2 * LANES)], rd_v)

        bv = rd_v[pl.ds(0, LANES)]
        bi = plsc.bitcast(rd_v[pl.ds(LANES, LANES)], jnp.int32)
        for j in range(1, n_chunks):
            vj = rd_v[pl.ds(j * 2 * LANES, LANES)]
            ij = plsc.bitcast(rd_v[pl.ds(j * 2 * LANES + LANES, LANES)],
                              jnp.int32)
            better = vj > bv
            bv = jnp.where(better, vj, bv)
            bi = jnp.where(better, ij, bi)
        return bi

    lax.fori_loop(0, NPOINT, step, jnp.zeros((LANES,), jnp.int32))

    @pl.when(chunk == 0)
    def _():
        for i in range(NPOINT // LANES):
            sl = pl.ds(i * LANES, LANES)
            ivec = idx_v[sl]
            yx_s[sl] = plsc.load_gather(xx_v, [ivec])
            yy_s[sl] = plsc.load_gather(xy_v, [ivec])
            yz_s[sl] = plsc.load_gather(xz_v, [ivec])
        pltpu.sync_copy(yx_s, yx_hbm.at[batch])
        pltpu.sync_copy(yy_s, yy_hbm.at[batch])
        pltpu.sync_copy(yz_s, yz_hbm.at[batch])


@functools.partial(jax.jit, static_argnums=())
def _fps_sc(xx, xy, xz):
    b, n = xx.shape
    out = jax.ShapeDtypeStruct((b, NPOINT), jnp.float32)
    fn = pl.kernel(
        _fps_body,
        out_type=(out, out, out),
        mesh=plsc.VectorSubcoreMesh(core_axis_name="c", subcore_axis_name="s",
                                    num_cores=2, num_subcores=16),
        compiler_params=pltpu.CompilerParams(needs_layout_passes=False),
        scratch_types=[
            pltpu.VMEM((n,), jnp.float32),
            pltpu.VMEM((n,), jnp.float32),
            pltpu.VMEM((n,), jnp.float32),
            pltpu.VMEM((n // 8,), jnp.float32),
            pltpu.VMEM((2 * LANES,), jnp.float32),
            pltpu.VMEM((8 * 2 * LANES,), jnp.float32),
            pltpu.VMEM((NPOINT,), jnp.int32),
            pltpu.VMEM((NPOINT,), jnp.float32),
            pltpu.VMEM((NPOINT,), jnp.float32),
            pltpu.VMEM((NPOINT,), jnp.float32),
            pltpu.VMEM_SHARED((2 * 2 * 8 * 2 * LANES,), jnp.float32),
        ],
    )
    return fn(xx, xy, xz)


def kernel(x):
    xx = x[:, :, 0]
    xy = x[:, :, 1]
    xz = x[:, :, 2]
    yx, yy, yz = _fps_sc(xx, xy, xz)
    return jnp.stack([yx, yy, yz], axis=-1)

# --- scband reference (transcript-rebuilt; emitter-appended) ---
"""Pipeline reference for scband-fpssampler-22943715295397 (READ-ONLY COPY).

The authoritative reference and input builder live on the scoring server;
editing this copy changes nothing except your own understanding.
"""

import jax, jax.numpy as jnp
import numpy as np
from jax import lax

NUM_OUT_POINTS = 512
BATCH = 4
N_POINTS = 16384

def setup_inputs(seed: int = 0) -> dict:
    key = jax.random.key(seed)
    x = jax.random.normal(key, (BATCH, N_POINTS, 3), dtype=jnp.float32)
    return {"x": x}

def _fps(x, npoint):
    # Farthest point sampling: x [B, N, 3] -> idx int32 [B, npoint]
    B, N, _ = x.shape
    dists = jnp.full((B, N), 1e10, dtype=x.dtype)
    farthest = jnp.zeros((B,), dtype=jnp.int32)

    def step(carry, _):
        dists, farthest = carry
        # gather the current farthest point as centroid: [B, 1, 3]
        centroid = jnp.take_along_axis(x, farthest[:, None, None], axis=1)
        d = jnp.sum((x - centroid) ** 2, axis=-1)  # [B, N]
        dists = jnp.minimum(dists, d)
        new_farthest = jnp.argmax(dists, axis=-1).astype(jnp.int32)
        return (dists, new_farthest), farthest

    (_, _), idx = lax.scan(step, (dists, farthest), None, length=npoint)
    return jnp.transpose(idx)  # [B, npoint]

def reference(x):
    # permute=False, input_shape='bnc', output_shape='bnc'
    idx = _fps(x, NUM_OUT_POINTS)  # int32 [B, npoint]
    B, npoint = idx.shape
    gidx = jnp.broadcast_to(idx[:, :, None], (B, npoint, 3))
    y = jnp.take_along_axis(x, gidx, axis=1)  # [B, npoint, 3]
    return y

if __name__ == "__main__":
    import jax
    _d = setup_inputs()
    print(jax.jit(kernel)(*tuple(_d.values())))

</pallas_src>

<mosaic_0001>
#map = affine_map<(d0, d1) -> (0, 0)>
module attributes {stable_mosaic.version = 14 : i64} {
  func.func @_fps_body(%arg0: i32, %arg1: i32, %arg2: memref<4x16384xf32, #tpu.memory_space<hbm>>, %arg3: memref<4x16384xf32, #tpu.memory_space<hbm>>, %arg4: memref<4x16384xf32, #tpu.memory_space<hbm>>, %arg5: memref<4x512xf32, #tpu.memory_space<hbm>>, %arg6: memref<4x512xf32, #tpu.memory_space<hbm>>, %arg7: memref<4x512xf32, #tpu.memory_space<hbm>>, %arg8: memref<16384xf32, #tpu.memory_space<vmem>>, %arg9: memref<16384xf32, #tpu.memory_space<vmem>>, %arg10: memref<16384xf32, #tpu.memory_space<vmem>>, %arg11: memref<2048xf32, #tpu.memory_space<vmem>>, %arg12: memref<32xf32, #tpu.memory_space<vmem>>, %arg13: memref<256xf32, #tpu.memory_space<vmem>>, %arg14: memref<512xi32, #tpu.memory_space<vmem>>, %arg15: memref<512xf32, #tpu.memory_space<vmem>>, %arg16: memref<512xf32, #tpu.memory_space<vmem>>, %arg17: memref<512xf32, #tpu.memory_space<vmem>>, %arg18: memref<1024xf32, #tpu.memory_space<vmem_shared>>) attributes {dimension_semantics = [#tpu.dimension_semantics<core_parallel>, #tpu.dimension_semantics<subcore_parallel>], iteration_bounds = array<i64: 2, 16>, scalar_prefetch = 0 : i64, scratch_operands = 11 : i64, tpu.core_type = #tpu.core_type<sc_vector_subcore>, window_params = [{transform_indices = #map}, {transform_indices = #map}, {transform_indices = #map}, {transform_indices = #map}, {transform_indices = #map}, {transform_indices = #map}]} {
    %jit3A = arith.constant 8 : i32
    %div3A = arith.divsi %arg1, %jit3A : i32
    %sign3A = arith.constant 0 : i32
    %sign3A_0 = arith.cmpi sgt, %arg1, %sign3A : i32
    %sign3A_1 = arith.extui %sign3A_0 : i1 to i32
    %sign3A_2 = arith.constant 0 : i32
    %sign3A_3 = arith.cmpi slt, %arg1, %sign3A_2 : i32
    %sign3A_4 = arith.extui %sign3A_3 : i1 to i32
    %sign3A_5 = arith.subi %sign3A_1, %sign3A_4 : i32
    %sign3A_6 = arith.constant 0 : i32
    %sign3A_7 = arith.cmpi sgt, %jit3A, %sign3A_6 : i32
    %sign3A_8 = arith.extui %sign3A_7 : i1 to i32
    %sign3A_9 = arith.constant 0 : i32
    %sign3A_10 = arith.cmpi slt, %jit3A, %sign3A_9 : i32
    %sign3A_11 = arith.extui %sign3A_10 : i1 to i32
    %sign3A_12 = arith.subi %sign3A_8, %sign3A_11 : i32
    %ne3A = arith.cmpi ne, %sign3A_5, %sign3A_12 : i32
    %rem3A = arith.remsi %arg1, %jit3A : i32
    %ne3A_13 = arith.constant 0 : i32
    %ne3A_14 = arith.cmpi ne, %rem3A, %ne3A_13 : i32
    %and3A = arith.andi %ne3A, %ne3A_14 : i1
    %sub3A = arith.constant 1 : i32
    %sub3A_15 = arith.subi %div3A, %sub3A : i32
    %select_n3A = arith.select %and3A, %sub3A_15, %div3A : i32
    %jit3A_16 = arith.constant 8 : i32
    %eq3A = arith.constant 0 : i32
    %eq3A_17 = arith.cmpi eq, %jit3A_16, %eq3A : i32
    %jit3A_18 = arith.constant 1 : i32
    %select_n3A_19 = arith.select %eq3A_17, %jit3A_18, %jit3A_16 : i32
    %rem3A_20 = arith.remsi %arg1, %select_n3A_19 : i32
    %ne3A_21 = arith.constant 0 : i32
    %ne3A_22 = arith.cmpi ne, %rem3A_20, %ne3A_21 : i32
    %lt3A = arith.constant 0 : i32
    %lt3A_23 = arith.cmpi slt, %rem3A_20, %lt3A : i32
    %lt3A_24 = arith.constant 0 : i32
    %lt3A_25 = arith.cmpi slt, %select_n3A_19, %lt3A_24 : i32
    %ne3A_26 = arith.xori %lt3A_23, %lt3A_25 : i1
    %and3A_27 = arith.andi %ne3A_26, %ne3A_22 : i1
    %add3A = arith.addi %rem3A_20, %select_n3A_19 : i32
    %select_n3A_28 = arith.select %and3A_27, %add3A, %rem3A_20 : i32
    %mul3A = arith.constant 2 : i32
    %mul3A_29 = arith.muli %arg0, %mul3A : i32
    %add3A_30 = arith.addi %mul3A_29, %select_n3A : i32
    %mul3A_31 = arith.constant 2048 : i32
    %mul3A_32 = arith.muli %select_n3A_28, %mul3A_31 : i32
    "tpu.region"() ({
      %run_scoped3A = tpu.sem_alloc : memref<!tpu.dma_semaphore, #tpu.memory_space<semaphore_mem>>
      %dma_start3A = arith.constant 0 : i32
      %dma_start3A_48 = tpu.memref_slice %arg2[%add3A_30, %dma_start3A] : memref<4x16384xf32, #tpu.memory_space<hbm>> -> memref<1x16384xf32, #tpu.memory_space<hbm>>
      %dma_start3A_49 = tpu.memref_squeeze %dma_start3A_48 : memref<1x16384xf32, #tpu.memory_space<hbm>> -> memref<16384xf32, #tpu.memory_space<hbm>>
      %dma_start3A_50 = arith.constant 0 : i32
      %dma_start3A_51 = tpu.memref_slice %arg2[%add3A_30, %dma_start3A_50] : memref<4x16384xf32, #tpu.memory_space<hbm>> -> memref<1x16384xf32, #tpu.memory_space<hbm>>
      %dma_start3A_52 = tpu.memref_squeeze %dma_start3A_51 : memref<1x16384xf32, #tpu.memory_space<hbm>> -> memref<16384xf32, #tpu.memory_space<hbm>>
      tpu.enqueue_dma source(%dma_start3A_52 : memref<16384xf32, #tpu.memory_space<hbm>>) target(%arg8 : memref<16384xf32, #tpu.memory_space<vmem>>) target_semaphore(%run_scoped3A : memref<!tpu.dma_semaphore, #tpu.memory_space<semaphore_mem>>)
      %dma_wait3A = arith.constant 0 : i32
      %dma_wait3A_53 = tpu.memref_slice %arg2[%add3A_30, %dma_wait3A] : memref<4x16384xf32, #tpu.memory_space<hbm>> -> memref<1x16384xf32, #tpu.memory_space<hbm>>
      %dma_wait3A_54 = tpu.memref_squeeze %dma_wait3A_53 : memref<1x16384xf32, #tpu.memory_space<hbm>> -> memref<16384xf32, #tpu.memory_space<hbm>>
      %dma_wait3A_55 = arith.constant 0 : i32
      %dma_wait3A_56 = tpu.memref_slice %arg2[%add3A_30, %dma_wait3A_55] : memref<4x16384xf32, #tpu.memory_space<hbm>> -> memref<1x16384xf32, #tpu.memory_space<hbm>>
      %dma_wait3A_57 = tpu.memref_squeeze %dma_wait3A_56 : memref<1x16384xf32, #tpu.memory_space<hbm>> -> memref<16384xf32, #tpu.memory_space<hbm>>
      tpu.wait_dma2 semaphore(%run_scoped3A : memref<!tpu.dma_semaphore, #tpu.memory_space<semaphore_mem>>) src(%dma_wait3A_57 : memref<16384xf32, #tpu.memory_space<hbm>>) dst(%arg8 : memref<16384xf32, #tpu.memory_space<vmem>>)
      tpu.yield
    }) : () -> ()
    "tpu.region"() ({
      %run_scoped3A = tpu.sem_alloc : memref<!tpu.dma_semaphore, #tpu.memory_space<semaphore_mem>>
      %dma_start3A = arith.constant 0 : i32
      %dma_start3A_48 = tpu.memref_slice %arg3[%add3A_30, %dma_start3A] : memref<4x16384xf32, #tpu.memory_space<hbm>> -> memref<1x16384xf32, #tpu.memory_space<hbm>>
      %dma_start3A_49 = tpu.memref_squeeze %dma_start3A_48 : memref<1x16384xf32, #tpu.memory_space<hbm>> -> memref<16384xf32, #tpu.memory_space<hbm>>
      %dma_start3A_50 = arith.constant 0 : i32
      %dma_start3A_51 = tpu.memref_slice %arg3[%add3A_30, %dma_start3A_50] : memref<4x16384xf32, #tpu.memory_space<hbm>> -> memref<1x16384xf32, #tpu.memory_space<hbm>>
      %dma_start3A_52 = tpu.memref_squeeze %dma_start3A_51 : memref<1x16384xf32, #tpu.memory_space<hbm>> -> memref<16384xf32, #tpu.memory_space<hbm>>
      tpu.enqueue_dma source(%dma_start3A_52 : memref<16384xf32, #tpu.memory_space<hbm>>) target(%arg9 : memref<16384xf32, #tpu.memory_space<vmem>>) target_semaphore(%run_scoped3A : memref<!tpu.dma_semaphore, #tpu.memory_space<semaphore_mem>>)
      %dma_wait3A = arith.constant 0 : i32
      %dma_wait3A_53 = tpu.memref_slice %arg3[%add3A_30, %dma_wait3A] : memref<4x16384xf32, #tpu.memory_space<hbm>> -> memref<1x16384xf32, #tpu.memory_space<hbm>>
      %dma_wait3A_54 = tpu.memref_squeeze %dma_wait3A_53 : memref<1x16384xf32, #tpu.memory_space<hbm>> -> memref<16384xf32, #tpu.memory_space<hbm>>
      %dma_wait3A_55 = arith.constant 0 : i32
      %dma_wait3A_56 = tpu.memref_slice %arg3[%add3A_30, %dma_wait3A_55] : memref<4x16384xf32, #tpu.memory_space<hbm>> -> memref<1x16384xf32, #tpu.memory_space<hbm>>
      %dma_wait3A_57 = tpu.memref_squeeze %dma_wait3A_56 : memref<1x16384xf32, #tpu.memory_space<hbm>> -> memref<16384xf32, #tpu.memory_space<hbm>>
      tpu.wait_dma2 semaphore(%run_scoped3A : memref<!tpu.dma_semaphore, #tpu.memory_space<semaphore_mem>>) src(%dma_wait3A_57 : memref<16384xf32, #tpu.memory_space<hbm>>) dst(%arg9 : memref<16384xf32, #tpu.memory_space<vmem>>)
      tpu.yield
    }) : () -> ()
    "tpu.region"() ({
      %run_scoped3A = tpu.sem_alloc : memref<!tpu.dma_semaphore, #tpu.memory_space<semaphore_mem>>
      %dma_start3A = arith.constant 0 : i32
      %dma_start3A_48 = tpu.memref_slice %arg4[%add3A_30, %dma_start3A] : memref<4x16384xf32, #tpu.memory_space<hbm>> -> memref<1x16384xf32, #tpu.memory_space<hbm>>
      %dma_start3A_49 = tpu.memref_squeeze %dma_start3A_48 : memref<1x16384xf32, #tpu.memory_space<hbm>> -> memref<16384xf32, #tpu.memory_space<hbm>>
      %dma_start3A_50 = arith.constant 0 : i32
      %dma_start3A_51 = tpu.memref_slice %arg4[%add3A_30, %dma_start3A_50] : memref<4x16384xf32, #tpu.memory_space<hbm>> -> memref<1x16384xf32, #tpu.memory_space<hbm>>
      %dma_start3A_52 = tpu.memref_squeeze %dma_start3A_51 : memref<1x16384xf32, #tpu.memory_space<hbm>> -> memref<16384xf32, #tpu.memory_space<hbm>>
      tpu.enqueue_dma source(%dma_start3A_52 : memref<16384xf32, #tpu.memory_space<hbm>>) target(%arg10 : memref<16384xf32, #tpu.memory_space<vmem>>) target_semaphore(%run_scoped3A : memref<!tpu.dma_semaphore, #tpu.memory_space<semaphore_mem>>)
      %dma_wait3A = arith.constant 0 : i32
      %dma_wait3A_53 = tpu.memref_slice %arg4[%add3A_30, %dma_wait3A] : memref<4x16384xf32, #tpu.memory_space<hbm>> -> memref<1x16384xf32, #tpu.memory_space<hbm>>
      %dma_wait3A_54 = tpu.memref_squeeze %dma_wait3A_53 : memref<1x16384xf32, #tpu.memory_space<hbm>> -> memref<16384xf32, #tpu.memory_space<hbm>>
      %dma_wait3A_55 = arith.constant 0 : i32
      %dma_wait3A_56 = tpu.memref_slice %arg4[%add3A_30, %dma_wait3A_55] : memref<4x16384xf32, #tpu.memory_space<hbm>> -> memref<1x16384xf32, #tpu.memory_space<hbm>>
      %dma_wait3A_57 = tpu.memref_squeeze %dma_wait3A_56 : memref<1x16384xf32, #tpu.memory_space<hbm>> -> memref<16384xf32, #tpu.memory_space<hbm>>
      tpu.wait_dma2 semaphore(%run_scoped3A : memref<!tpu.dma_semaphore, #tpu.memory_space<semaphore_mem>>) src(%dma_wait3A_57 : memref<16384xf32, #tpu.memory_space<hbm>>) dst(%arg10 : memref<16384xf32, #tpu.memory_space<vmem>>)
      tpu.yield
    }) : () -> ()
    %scan3A = arith.constant 0 : i32
    %scan3A_33 = arith.constant 0 : i32
    %scan3A_34 = arith.constant 128 : i32
    %scan3A_35 = arith.addi %scan3A_33, %scan3A_34 : i32
    %scan3A_36 = arith.constant 1 : i32
    scf.for %scan3A_48 = %scan3A_33 to %scan3A_35 step %scan3A_36  : i32 {
      %broadcast_in_dim3A_49 = arith.constant 1.000000e+10 : f32
      %broadcast_in_dim3A_50 = vector.broadcast %broadcast_in_dim3A_49 : f32 to vector<16xf32>
      %mul3A_51 = arith.constant 16 : i32
      %mul3A_52 = arith.muli %scan3A_48, %mul3A_51 : i32
      %swap3A = arith.index_cast %mul3A_52 : i32 to index
      %swap3A_53 = tpu.vector_load %arg11[%swap3A] {strides = array<i32>} : memref<2048xf32, #tpu.memory_space<vmem>>, vector<16xf32>,
      tpu.vector_store %arg11[%swap3A], %broadcast_in_dim3A_50 {strides = array<i32>} : memref<2048xf32, #tpu.memory_space<vmem>>, vector<16xf32>,
    }
    %scan3A_37 = arith.constant 128 : i32
    %iota3A = tpu.iota {dimensions = array<i32: 0>} : vector<16xi32>
    %broadcast_in_dim3A = arith.constant 0 : i32
    %broadcast_in_dim3A_38 = vector.broadcast %broadcast_in_dim3A : i32 to vector<16xi32>
    %scan3A_39 = arith.constant 0 : i32
    %scan3A_40 = arith.constant 512 : i32
    %scan3A_41 = arith.addi %scan3A_39, %scan3A_40 : i32
    %scan3A_42 = arith.constant 1 : i32
    %scan3A_43 = scf.for %scan3A_48 = %scan3A_39 to %scan3A_41 step %scan3A_42 iter_args(%scan3A_49 = %broadcast_in_dim3A_38) -> (vector<16xi32>)  : i32 {
      %gather3A = tpu.vector_load_idx %arg8[%scan3A_49] : memref<16384xf32, #tpu.memory_space<vmem>>[vector<16xi32>], vector<16xf32>,
      %gather3A_50 = tpu.vector_load_idx %arg9[%scan3A_49] : memref<16384xf32, #tpu.memory_space<vmem>>[vector<16xi32>], vector<16xf32>,
      %gather3A_51 = tpu.vector_load_idx %arg10[%scan3A_49] : memref<16384xf32, #tpu.memory_space<vmem>>[vector<16xi32>], vector<16xf32>,
      %jit3A_52 = arith.constant 16 : i32
      %div3A_53 = arith.divsi %scan3A_48, %jit3A_52 : i32
      %sign3A_54 = arith.constant 0 : i32
      %sign3A_55 = arith.cmpi sgt, %scan3A_48, %sign3A_54 : i32
      %sign3A_56 = arith.extui %sign3A_55 : i1 to i32
      %sign3A_57 = arith.constant 0 : i32
      %sign3A_58 = arith.cmpi slt, %scan3A_48, %sign3A_57 : i32
      %sign3A_59 = arith.extui %sign3A_58 : i1 to i32
      %sign3A_60 = arith.subi %sign3A_56, %sign3A_59 : i32
      %sign3A_61 = arith.constant 0 : i32
      %sign3A_62 = arith.cmpi sgt, %jit3A_52, %sign3A_61 : i32
      %sign3A_63 = arith.extui %sign3A_62 : i1 to i32
      %sign3A_64 = arith.constant 0 : i32
      %sign3A_65 = arith.cmpi slt, %jit3A_52, %sign3A_64 : i32
      %sign3A_66 = arith.extui %sign3A_65 : i1 to i32
      %sign3A_67 = arith.subi %sign3A_63, %sign3A_66 : i32
      %ne3A_68 = arith.cmpi ne, %sign3A_60, %sign3A_67 : i32
      %rem3A_69 = arith.remsi %scan3A_48, %jit3A_52 : i32
      %ne3A_70 = arith.constant 0 : i32
      %ne3A_71 = arith.cmpi ne, %rem3A_69, %ne3A_70 : i32
      %and3A_72 = arith.andi %ne3A_68, %ne3A_71 : i1
      %sub3A_73 = arith.constant 1 : i32
      %sub3A_74 = arith.subi %div3A_53, %sub3A_73 : i32
      %select_n3A_75 = arith.select %and3A_72, %sub3A_74, %div3A_53 : i32
      %mul3A_76 = arith.constant 16 : i32
      %mul3A_77 = arith.muli %select_n3A_75, %mul3A_76 : i32
      %get3A = arith.index_cast %mul3A_77 : i32 to index
      %get3A_78 = tpu.vector_load %arg14[%get3A] {strides = array<i32>} : memref<512xi32, #tpu.memory_space<vmem>>, vector<16xi32>,
      %jit3A_79 = arith.constant 16 : i32
      %eq3A_80 = arith.constant 0 : i32
      %eq3A_81 = arith.cmpi eq, %jit3A_79, %eq3A_80 : i32
      %jit3A_82 = arith.constant 1 : i32
      %select_n3A_83 = arith.select %eq3A_81, %jit3A_82, %jit3A_79 : i32
      %rem3A_84 = arith.remsi %scan3A_48, %select_n3A_83 : i32
      %ne3A_85 = arith.constant 0 : i32
      %ne3A_86 = arith.cmpi ne, %rem3A_84, %ne3A_85 : i32
      %lt3A_87 = arith.constant 0 : i32
      %lt3A_88 = arith.cmpi slt, %rem3A_84, %lt3A_87 : i32
      %lt3A_89 = arith.constant 0 : i32
      %lt3A_90 = arith.cmpi slt, %select_n3A_83, %lt3A_89 : i32
      %ne3A_91 = arith.xori %lt3A_88, %lt3A_90 : i1
      %and3A_92 = arith.andi %ne3A_91, %ne3A_86 : i1
      %add3A_93 = arith.addi %rem3A_84, %select_n3A_83 : i32
      %select_n3A_94 = arith.select %and3A_92, %add3A_93, %rem3A_84 : i32
      %eq3A_95 = vector.broadcast %select_n3A_94 : i32 to vector<16xi32>
      %eq3A_96 = arith.cmpi eq, %iota3A, %eq3A_95 : vector<16xi32>
      %select_n3A_97 = arith.select %eq3A_96, %scan3A_49, %get3A_78 : vector<16xi1>, vector<16xi32>
      %swap3A = arith.index_cast %mul3A_77 : i32 to index
      %swap3A_98 = tpu.vector_load %arg14[%swap3A] {strides = array<i32>} : memref<512xi32, #tpu.memory_space<vmem>>, vector<16xi32>,
      tpu.vector_store %arg14[%swap3A], %select_n3A_97 {strides = array<i32>} : memref<512xi32, #tpu.memory_space<vmem>>, vector<16xi32>,
      %broadcast_in_dim3A_99 = arith.constant -1.000000e+00 : f32
      %broadcast_in_dim3A_100 = vector.broadcast %broadcast_in_dim3A_99 : f32 to vector<16xf32>
      %broadcast_in_dim3A_101 = arith.constant 0 : i32
      %broadcast_in_dim3A_102 = vector.broadcast %broadcast_in_dim3A_101 : i32 to vector<16xi32>
      %parallel_loop3A = arith.constant 0 : i32
      %parallel_loop3A_103 = arith.constant 128 : i32
      %parallel_loop3A_104 = arith.constant 4 : i32
      %parallel_loop3A_105:8 = scf.for %parallel_loop3A_247 = %parallel_loop3A to %parallel_loop3A_103 step %parallel_loop3A_104 iter_args(%parallel_loop3A_248 = %broadcast_in_dim3A_100, %parallel_loop3A_249 = %broadcast_in_dim3A_102, %parallel_loop3A_250 = %broadcast_in_dim3A_100, %parallel_loop3A_251 = %broadcast_in_dim3A_102, %parallel_loop3A_252 = %broadcast_in_dim3A_100, %parallel_loop3A_253 = %broadcast_in_dim3A_102, %parallel_loop3A_254 = %broadcast_in_dim3A_100, %parallel_loop3A_255 = %broadcast_in_dim3A_102) -> (vector<16xf32>, vector<16xi32>, vector<16xf32>, vector<16xi32>, vector<16xf32>, vector<16xi32>, vector<16xf32>, vector<16xi32>)  : i32 {
        %parallel_loop3A_256 = arith.constant 16 : i32
        %parallel_loop3A_257 = arith.muli %parallel_loop3A_247, %parallel_loop3A_256 : i32
        %parallel_loop3A_258 = arith.addi %mul3A_32, %parallel_loop3A_257 : i32
        %parallel_loop3A_259 = arith.constant 0 : i32
        %parallel_loop3A_260 = arith.addi %parallel_loop3A_258, %parallel_loop3A_259 : i32
        %parallel_loop3A_261 = arith.index_cast %parallel_loop3A_260 : i32 to index
        %parallel_loop3A_262 = tpu.vector_load %arg8[%parallel_loop3A_261] {strides = array<i32>} : memref<16384xf32, #tpu.memory_space<vmem>>, vector<16xf32>,
        %parallel_loop3A_263 = arith.subf %parallel_loop3A_262, %gather3A : vector<16xf32>
        %parallel_loop3A_264 = arith.index_cast %parallel_loop3A_260 : i32 to index
        %parallel_loop3A_265 = tpu.vector_load %arg9[%parallel_loop3A_264] {strides = array<i32>} : memref<16384xf32, #tpu.memory_space<vmem>>, vector<16xf32>,
        %parallel_loop3A_266 = arith.subf %parallel_loop3A_265, %gather3A_50 : vector<16xf32>
        %parallel_loop3A_267 = arith.index_cast %parallel_loop3A_260 : i32 to index
        %parallel_loop3A_268 = tpu.vector_load %arg10[%parallel_loop3A_267] {strides = array<i32>} : memref<16384xf32, #tpu.memory_space<vmem>>, vector<16xf32>,
        %parallel_loop3A_269 = arith.subf %parallel_loop3A_268, %gather3A_51 : vector<16xf32>
        %parallel_loop3A_270 = arith.mulf %parallel_loop3A_263, %parallel_loop3A_263 : vector<16xf32>
        %parallel_loop3A_271 = arith.mulf %parallel_loop3A_266, %parallel_loop3A_266 : vector<16xf32>
        %parallel_loop3A_272 = arith.addf %parallel_loop3A_270, %parallel_loop3A_271 : vector<16xf32>
        %parallel_loop3A_273 = arith.mulf %parallel_loop3A_269, %parallel_loop3A_269 : vector<16xf32>
        %parallel_loop3A_274 = arith.addf %parallel_loop3A_272, %parallel_loop3A_273 : vector<16xf32>
        %parallel_loop3A_275 = arith.constant 16 : i32
        %parallel_loop3A_276 = arith.muli %parallel_loop3A_247, %parallel_loop3A_275 : i32
        %parallel_loop3A_277 = arith.constant 0 : i32
        %parallel_loop3A_278 = arith.addi %parallel_loop3A_276, %parallel_loop3A_277 : i32
        %parallel_loop3A_279 = arith.index_cast %parallel_loop3A_278 : i32 to index
        %parallel_loop3A_280 = tpu.vector_load %arg11[%parallel_loop3A_279] {strides = array<i32>} : memref<2048xf32, #tpu.memory_space<vmem>>, vector<16xf32>,
        %parallel_loop3A_281 = arith.minimumf %parallel_loop3A_280, %parallel_loop3A_274 : vector<16xf32>
        %parallel_loop3A_282 = arith.index_cast %parallel_loop3A_278 : i32 to index
        %parallel_loop3A_283 = tpu.vector_load %arg11[%parallel_loop3A_282] {strides = array<i32>} : memref<2048xf32, #tpu.memory_space<vmem>>, vector<16xf32>,
        tpu.vector_store %arg11[%parallel_loop3A_282], %parallel_loop3A_281 {strides = array<i32>} : memref<2048xf32, #tpu.memory_space<vmem>>, vector<16xf32>,
        %parallel_loop3A_284 = arith.cmpf ogt, %parallel_loop3A_281, %parallel_loop3A_248 : vector<16xf32>
        %parallel_loop3A_285 = arith.select %parallel_loop3A_284, %parallel_loop3A_281, %parallel_loop3A_248 : vector<16xi1>, vector<16xf32>
        %parallel_loop3A_286 = arith.constant 0 : i32
        %parallel_loop3A_287 = arith.addi %parallel_loop3A_247, %parallel_loop3A_286 : i32
        %parallel_loop3A_288 = vector.broadcast %parallel_loop3A_287 : i32 to vector<16xi32>
        %parallel_loop3A_289 = arith.select %parallel_loop3A_284, %parallel_loop3A_288, %parallel_loop3A_249 : vector<16xi1>, vector<16xi32>
        %parallel_loop3A_290 = arith.constant 16 : i32
        %parallel_loop3A_291 = arith.muli %parallel_loop3A_247, %parallel_loop3A_290 : i32
        %parallel_loop3A_292 = arith.addi %mul3A_32, %parallel_loop3A_291 : i32
        %parallel_loop3A_293 = arith.constant 16 : i32
        %parallel_loop3A_294 = arith.addi %parallel_loop3A_292, %parallel_loop3A_293 : i32
        %parallel_loop3A_295 = arith.index_cast %parallel_loop3A_294 : i32 to index
        %parallel_loop3A_296 = tpu.vector_load %arg8[%parallel_loop3A_295] {strides = array<i32>} : memref<16384xf32, #tpu.memory_space<vmem>>, vector<16xf32>,
        %parallel_loop3A_297 = arith.subf %parallel_loop3A_296, %gather3A : vector<16xf32>
        %parallel_loop3A_298 = arith.index_cast %parallel_loop3A_294 : i32 to index
        %parallel_loop3A_299 = tpu.vector_load %arg9[%parallel_loop3A_298] {strides = array<i32>} : memref<16384xf32, #tpu.memory_space<vmem>>, vector<16xf32>,
        %parallel_loop3A_300 = arith.subf %parallel_loop3A_299, %gather3A_50 : vector<16xf32>
        %parallel_loop3A_301 = arith.index_cast %parallel_loop3A_294 : i32 to index
        %parallel_loop3A_302 = tpu.vector_load %arg10[%parallel_loop3A_301] {strides = array<i32>} : memref<16384xf32, #tpu.memory_space<vmem>>, vector<16xf32>,
        %parallel_loop3A_303 = arith.subf %parallel_loop3A_302, %gather3A_51 : vector<16xf32>
        %parallel_loop3A_304 = arith.mulf %parallel_loop3A_297, %parallel_loop3A_297 : vector<16xf32>
        %parallel_loop3A_305 = arith.mulf %parallel_loop3A_300, %parallel_loop3A_300 : vector<16xf32>
        %parallel_loop3A_306 = arith.addf %parallel_loop3A_304, %parallel_loop3A_305 : vector<16xf32>
        %parallel_loop3A_307 = arith.mulf %parallel_loop3A_303, %parallel_loop3A_303 : vector<16xf32>
        %parallel_loop3A_308 = arith.addf %parallel_loop3A_306, %parallel_loop3A_307 : vector<16xf32>
        %parallel_loop3A_309 = arith.constant 16 : i32
        %parallel_loop3A_310 = arith.muli %parallel_loop3A_247, %parallel_loop3A_309 : i32
        %parallel_loop3A_311 = arith.constant 16 : i32
        %parallel_loop3A_312 = arith.addi %parallel_loop3A_310, %parallel_loop3A_311 : i32
        %parallel_loop3A_313 = arith.index_cast %parallel_loop3A_312 : i32 to index
        %parallel_loop3A_314 = tpu.vector_load %arg11[%parallel_loop3A_313] {strides = array<i32>} : memref<2048xf32, #tpu.memory_space<vmem>>, vector<16xf32>,
        %parallel_loop3A_315 = arith.minimumf %parallel_loop3A_314, %parallel_loop3A_308 : vector<16xf32>
        %parallel_loop3A_316 = arith.index_cast %parallel_loop3A_312 : i32 to index
        %parallel_loop3A_317 = tpu.vector_load %arg11[%parallel_loop3A_316] {strides = array<i32>} : memref<2048xf32, #tpu.memory_space<vmem>>, vector<16xf32>,
        tpu.vector_store %arg11[%parallel_loop3A_316], %parallel_loop3A_315 {strides = array<i32>} : memref<2048xf32, #tpu.memory_space<vmem>>, vector<16xf32>,
        %parallel_loop3A_318 = arith.cmpf ogt, %parallel_loop3A_315, %parallel_loop3A_250 : vector<16xf32>
        %parallel_loop3A_319 = arith.select %parallel_loop3A_318, %parallel_loop3A_315, %parallel_loop3A_250 : vector<16xi1>, vector<16xf32>
        %parallel_loop3A_320 = arith.constant 1 : i32
        %parallel_loop3A_321 = arith.addi %parallel_loop3A_247, %parallel_loop3A_320 : i32
        %parallel_loop3A_322 = vector.broadcast %parallel_loop3A_321 : i32 to vector<16xi32>
        %parallel_loop3A_323 = arith.select %parallel_loop3A_318, %parallel_loop3A_322, %parallel_loop3A_251 : vector<16xi1>, vector<16xi32>
        %parallel_loop3A_324 = arith.constant 16 : i32
        %parallel_loop3A_325 = arith.muli %parallel_loop3A_247, %parallel_loop3A_324 : i32
        %parallel_loop3A_326 = arith.addi %mul3A_32, %parallel_loop3A_325 : i32
        %parallel_loop3A_327 = arith.constant 32 : i32
        %parallel_loop3A_328 = arith.addi %parallel_loop3A_326, %parallel_loop3A_327 : i32
        %parallel_loop3A_329 = arith.index_cast %parallel_loop3A_328 : i32 to index
        %parallel_loop3A_330 = tpu.vector_load %arg8[%parallel_loop3A_329] {strides = array<i32>} : memref<16384xf32, #tpu.memory_space<vmem>>, vector<16xf32>,
        %parallel_loop3A_331 = arith.subf %parallel_loop3A_330, %gather3A : vector<16xf32>
        %parallel_loop3A_332 = arith.index_cast %parallel_loop3A_328 : i32 to index
        %parallel_loop3A_333 = tpu.vector_load %arg9[%parallel_loop3A_332] {strides = array<i32>} : memref<16384xf32, #tpu.memory_space<vmem>>, vector<16xf32>,
        %parallel_loop3A_334 = arith.subf %parallel_loop3A_333, %gather3A_50 : vector<16xf32>
        %parallel_loop3A_335 = arith.index_cast %parallel_loop3A_328 : i32 to index
        %parallel_loop3A_336 = tpu.vector_load %arg10[%parallel_loop3A_335] {strides = array<i32>} : memref<16384xf32, #tpu.memory_space<vmem>>, vector<16xf32>,
        %parallel_loop3A_337 = arith.subf %parallel_loop3A_336, %gather3A_51 : vector<16xf32>
        %parallel_loop3A_338 = arith.mulf %parallel_loop3A_331, %parallel_loop3A_331 : vector<16xf32>
        %parallel_loop3A_339 = arith.mulf %parallel_loop3A_334, %parallel_loop3A_334 : vector<16xf32>
        %parallel_loop3A_340 = arith.addf %parallel_loop3A_338, %parallel_loop3A_339 : vector<16xf32>
        %parallel_loop3A_341 = arith.mulf %parallel_loop3A_337, %parallel_loop3A_337 : vector<16xf32>
        %parallel_loop3A_342 = arith.addf %parallel_loop3A_340, %parallel_loop3A_341 : vector<16xf32>
        %parallel_loop3A_343 = arith.constant 16 : i32
        %parallel_loop3A_344 = arith.muli %parallel_loop3A_247, %parallel_loop3A_343 : i32
        %parallel_loop3A_345 = arith.constant 32 : i32
        %parallel_loop3A_346 = arith.addi %parallel_loop3A_344, %parallel_loop3A_345 : i32
        %parallel_loop3A_347 = arith.index_cast %parallel_loop3A_346 : i32 to index
        %parallel_loop3A_348 = tpu.vector_load %arg11[%parallel_loop3A_347] {strides = array<i32>} : memref<2048xf32, #tpu.memory_space<vmem>>, vector<16xf32>,
        %parallel_loop3A_349 = arith.minimumf %parallel_loop3A_348, %parallel_loop3A_342 : vector<16xf32>
        %parallel_loop3A_350 = arith.index_cast %parallel_loop3A_346 : i32 to index
        %parallel_loop3A_351 = tpu.vector_load %arg11[%parallel_loop3A_350] {strides = array<i32>} : memref<2048xf32, #tpu.memory_space<vmem>>, vector<16xf32>,
        tpu.vector_store %arg11[%parallel_loop3A_350], %parallel_loop3A_349 {strides = array<i32>} : memref<2048xf32, #tpu.memory_space<vmem>>, vector<16xf32>,
        %parallel_loop3A_352 = arith.cmpf ogt, %parallel_loop3A_349, %parallel_loop3A_252 : vector<16xf32>
        %parallel_loop3A_353 = arith.select %parallel_loop3A_352, %parallel_loop3A_349, %parallel_loop3A_252 : vector<16xi1>, vector<16xf32>
        %parallel_loop3A_354 = arith.constant 2 : i32
        %parallel_loop3A_355 = arith.addi %parallel_loop3A_247, %parallel_loop3A_354 : i32
        %parallel_loop3A_356 = vector.broadcast %parallel_loop3A_355 : i32 to vector<16xi32>
        %parallel_loop3A_357 = arith.select %parallel_loop3A_352, %parallel_loop3A_356, %parallel_loop3A_253 : vector<16xi1>, vector<16xi32>
        %parallel_loop3A_358 = arith.constant 16 : i32
        %parallel_loop3A_359 = arith.muli %parallel_loop3A_247, %parallel_loop3A_358 : i32
        %parallel_loop3A_360 = arith.addi %mul3A_32, %parallel_loop3A_359 : i32
        %parallel_loop3A_361 = arith.constant 48 : i32
        %parallel_loop3A_362 = arith.addi %parallel_loop3A_360, %parallel_loop3A_361 : i32
        %parallel_loop3A_363 = arith.index_cast %parallel_loop3A_362 : i32 to index
        %parallel_loop3A_364 = tpu.vector_load %arg8[%parallel_loop3A_363] {strides = array<i32>} : memref<16384xf32, #tpu.memory_space<vmem>>, vector<16xf32>,
        %parallel_loop3A_365 = arith.subf %parallel_loop3A_364, %gather3A : vector<16xf32>
        %parallel_loop3A_366 = arith.index_cast %parallel_loop3A_362 : i32 to index
        %parallel_loop3A_367 = tpu.vector_load %arg9[%parallel_loop3A_366] {strides = array<i32>} : memref<16384xf32, #tpu.memory_space<vmem>>, vector<16xf32>,
        %parallel_loop3A_368 = arith.subf %parallel_loop3A_367, %gather3A_50 : vector<16xf32>
        %parallel_loop3A_369 = arith.index_cast %parallel_loop3A_362 : i32 to index
        %parallel_loop3A_370 = tpu.vector_load %arg10[%parallel_loop3A_369] {strides = array<i32>} : memref<16384xf32, #tpu.memory_space<vmem>>, vector<16xf32>,
        %parallel_loop3A_371 = arith.subf %parallel_loop3A_370, %gather3A_51 : vector<16xf32>
        %parallel_loop3A_372 = arith.mulf %parallel_loop3A_365, %parallel_loop3A_365 : vector<16xf32>
        %parallel_loop3A_373 = arith.mulf %parallel_loop3A_368, %parallel_loop3A_368 : vector<16xf32>
        %parallel_loop3A_374 = arith.addf %parallel_loop3A_372, %parallel_loop3A_373 : vector<16xf32>
        %parallel_loop3A_375 = arith.mulf %parallel_loop3A_371, %parallel_loop3A_371 : vector<16xf32>
        %parallel_loop3A_376 = arith.addf %parallel_loop3A_374, %parallel_loop3A_375 : vector<16xf32>
        %parallel_loop3A_377 = arith.constant 16 : i32
        %parallel_loop3A_378 = arith.muli %parallel_loop3A_247, %parallel_loop3A_377 : i32
        %parallel_loop3A_379 = arith.constant 48 : i32
        %parallel_loop3A_380 = arith.addi %parallel_loop3A_378, %parallel_loop3A_379 : i32
        %parallel_loop3A_381 = arith.index_cast %parallel_loop3A_380 : i32 to index
        %parallel_loop3A_382 = tpu.vector_load %arg11[%parallel_loop3A_381] {strides = array<i32>} : memref<2048xf32, #tpu.memory_space<vmem>>, vector<16xf32>,
        %parallel_loop3A_383 = arith.minimumf %parallel_loop3A_382, %parallel_loop3A_376 : vector<16xf32>
        %parallel_loop3A_384 = arith.index_cast %parallel_loop3A_380 : i32 to index
        %parallel_loop3A_385 = tpu.vector_load %arg11[%parallel_loop3A_384] {strides = array<i32>} : memref<2048xf32, #tpu.memory_space<vmem>>, vector<16xf32>,
        tpu.vector_store %arg11[%parallel_loop3A_384], %parallel_loop3A_383 {strides = array<i32>} : memref<2048xf32, #tpu.memory_space<vmem>>, vector<16xf32>,
        %parallel_loop3A_386 = arith.cmpf ogt, %parallel_loop3A_383, %parallel_loop3A_254 : vector<16xf32>
        %parallel_loop3A_387 = arith.select %parallel_loop3A_386, %parallel_loop3A_383, %parallel_loop3A_254 : vector<16xi1>, vector<16xf32>
        %parallel_loop3A_388 = arith.constant 3 : i32
        %parallel_loop3A_389 = arith.addi %parallel_loop3A_247, %parallel_loop3A_388 : i32
        %parallel_loop3A_390 = vector.broadcast %parallel_loop3A_389 : i32 to vector<16xi32>
        %parallel_loop3A_391 = arith.select %parallel_loop3A_386, %parallel_loop3A_390, %parallel_loop3A_255 : vector<16xi1>, vector<16xi32>
        scf.yield %parallel_loop3A_285, %parallel_loop3A_289, %parallel_loop3A_319, %parallel_loop3A_323, %parallel_loop3A_353, %parallel_loop3A_357, %parallel_loop3A_387, %parallel_loop3A_391 : vector<16xf32>, vector<16xi32>, vector<16xf32>, vector<16xi32>, vector<16xf32>, vector<16xi32>, vector<16xf32>, vector<16xi32>
      } {sc.loop_unroll_factor = 2 : i64, sc.parallel_access}
      %gt3A = arith.cmpf ogt, %parallel_loop3A_105#2, %parallel_loop3A_105#0 : vector<16xf32>
      %eq3A_106 = arith.cmpf oeq, %parallel_loop3A_105#2, %parallel_loop3A_105#0 : vector<16xf32>
      %lt3A_107 = arith.cmpi slt, %parallel_loop3A_105#3, %parallel_loop3A_105#1 : vector<16xi32>
      %and3A_108 = arith.andi %eq3A_106, %lt3A_107 : vector<16xi1>
      %or3A = arith.ori %gt3A, %and3A_108 : vector<16xi1>
      %select_n3A_109 = arith.select %or3A, %parallel_loop3A_105#2, %parallel_loop3A_105#0 : vector<16xi1>, vector<16xf32>
      %select_n3A_110 = arith.select %or3A, %parallel_loop3A_105#3, %parallel_loop3A_105#1 : vector<16xi1>, vector<16xi32>
      %gt3A_111 = arith.cmpf ogt, %parallel_loop3A_105#4, %select_n3A_109 : vector<16xf32>
      %eq3A_112 = arith.cmpf oeq, %parallel_loop3A_105#4, %select_n3A_109 : vector<16xf32>
      %lt3A_113 = arith.cmpi slt, %parallel_loop3A_105#5, %select_n3A_110 : vector<16xi32>
      %and3A_114 = arith.andi %eq3A_112, %lt3A_113 : vector<16xi1>
      %or3A_115 = arith.ori %gt3A_111, %and3A_114 : vector<16xi1>
      %select_n3A_116 = arith.select %or3A_115, %parallel_loop3A_105#4, %select_n3A_109 : vector<16xi1>, vector<16xf32>
      %select_n3A_117 = arith.select %or3A_115, %parallel_loop3A_105#5, %select_n3A_110 : vector<16xi1>, vector<16xi32>
      %gt3A_118 = arith.cmpf ogt, %parallel_loop3A_105#6, %select_n3A_116 : vector<16xf32>
      %eq3A_119 = arith.cmpf oeq, %parallel_loop3A_105#6, %select_n3A_116 : vector<16xf32>
      %lt3A_120 = arith.cmpi slt, %parallel_loop3A_105#7, %select_n3A_117 : vector<16xi32>
      %and3A_121 = arith.andi %eq3A_119, %lt3A_120 : vector<16xi1>
      %or3A_122 = arith.ori %gt3A_118, %and3A_121 : vector<16xi1>
      %select_n3A_123 = arith.select %or3A_122, %parallel_loop3A_105#6, %select_n3A_116 : vector<16xi1>, vector<16xf32>
      %select_n3A_124 = arith.select %or3A_122, %parallel_loop3A_105#7, %select_n3A_117 : vector<16xi1>, vector<16xi32>
      %reduce_max3A = arith.constant true
      %reduce_max3A_125 = vector.broadcast %reduce_max3A : i1 to vector<16xi1>
      %reduce_max3A_126 = tpu.scan <max>, %select_n3A_123 masked %reduce_max3A_125 : vector<16xf32>, vector<16xi1> -> vector<16xf32>
      %reduce_max3A_127 = vector.extract %reduce_max3A_126[15] : f32 from vector<16xf32>
      %broadcast_in_dim3A_128 = vector.broadcast %reduce_max3A_127 : f32 to vector<16xf32>
      %mul3A_129 = arith.constant 16 : i32
      %mul3A_130 = vector.broadcast %mul3A_129 : i32 to vector<16xi32>
      %mul3A_131 = arith.muli %select_n3A_124, %mul3A_130 : vector<16xi32>
      %add3A_132 = vector.broadcast %mul3A_32 : i32 to vector<16xi32>
      %add3A_133 = arith.addi %add3A_132, %mul3A_131 : vector<16xi32>
      %add3A_134 = arith.addi %add3A_133, %iota3A : vector<16xi32>
      %eq3A_135 = arith.cmpf oeq, %select_n3A_123, %broadcast_in_dim3A_128 : vector<16xf32>
      %jit3A_136 = arith.constant 2147483647 : i32
      %broadcast_in_dim3A_137 = vector.broadcast %jit3A_136 : i32 to vector<16xi32>
      %select_n3A_138 = arith.select %eq3A_135, %add3A_134, %broadcast_in_dim3A_137 : vector<16xi1>, vector<16xi32>
      %reduce_min3A = arith.constant true
      %reduce_min3A_139 = vector.broadcast %reduce_min3A : i1 to vector<16xi1>
      %reduce_min3A_140 = arith.constant -2147483648 : i32
      %reduce_min3A_141 = vector.broadcast %reduce_min3A_140 : i32 to vector<16xi32>
      %reduce_min3A_142 = arith.xori %select_n3A_138, %reduce_min3A_141 : vector<16xi32>
      %reduce_min3A_143 = tpu.scan <min>, %reduce_min3A_142 masked %reduce_min3A_139 : vector<16xi32>, vector<16xi1> -> vector<16xi32>
      %reduce_min3A_144 = arith.xori %reduce_min3A_143, %reduce_min3A_141 : vector<16xi32>
      %reduce_min3A_145 = vector.extract %reduce_min3A_144[15] : i32 from vector<16xi32>
      %broadcast_in_dim3A_146 = vector.broadcast %reduce_min3A_145 : i32 to vector<16xi32>
      %swap3A_147 = arith.constant 0 : index
      %swap3A_148 = tpu.vector_load %arg12[%swap3A_147] {strides = array<i32>} : memref<32xf32, #tpu.memory_space<vmem>>, vector<16xf32>,
      tpu.vector_store %arg12[%swap3A_147], %broadcast_in_dim3A_128 {strides = array<i32>} : memref<32xf32, #tpu.memory_space<vmem>>, vector<16xf32>,
      %bitcast3A = vector.bitcast %broadcast_in_dim3A_146 : vector<16xi32> to vector<16xf32>
      %swap3A_149 = arith.constant 16 : index
      %swap3A_150 = tpu.vector_load %arg12[%swap3A_149] {strides = array<i32>} : memref<32xf32, #tpu.memory_space<vmem>>, vector<16xf32>,
      tpu.vector_store %arg12[%swap3A_149], %bitcast3A {strides = array<i32>} : memref<32xf32, #tpu.memory_space<vmem>>, vector<16xf32>,
      %jit3A_151 = arith.constant 2 : i32
      %eq3A_152 = arith.constant 0 : i32
      %eq3A_153 = arith.cmpi eq, %jit3A_151, %eq3A_152 : i32
      %jit3A_154 = arith.constant 1 : i32
      %select_n3A_155 = arith.select %eq3A_153, %jit3A_154, %jit3A_151 : i32
      %rem3A_156 = arith.remsi %scan3A_48, %select_n3A_155 : i32
      %ne3A_157 = arith.constant 0 : i32
      %ne3A_158 = arith.cmpi ne, %rem3A_156, %ne3A_157 : i32
      %lt3A_159 = arith.constant 0 : i32
      %lt3A_160 = arith.cmpi slt, %rem3A_156, %lt3A_159 : i32
      %lt3A_161 = arith.constant 0 : i32
      %lt3A_162 = arith.cmpi slt, %select_n3A_155, %lt3A_161 : i32
      %ne3A_163 = arith.xori %lt3A_160, %lt3A_162 : i1
      %and3A_164 = arith.andi %ne3A_163, %ne3A_158 : i1
      %add3A_165 = arith.addi %rem3A_156, %select_n3A_155 : i32
      %select_n3A_166 = arith.select %and3A_164, %add3A_165, %rem3A_156 : i32
      %mul3A_167 = arith.constant 2 : i32
      %mul3A_168 = arith.muli %select_n3A_166, %mul3A_167 : i32
      %add3A_169 = arith.addi %mul3A_168, %select_n3A : i32
      %mul3A_170 = arith.constant 8 : i32
      %mul3A_171 = arith.muli %add3A_169, %mul3A_170 : i32
      %add3A_172 = arith.addi %mul3A_171, %select_n3A_28 : i32
      %mul3A_173 = arith.constant 2 : i32
      %mul3A_174 = arith.muli %add3A_172, %mul3A_173 : i32
      %mul3A_175 = arith.constant 16 : i32
      %mul3A_176 = arith.muli %mul3A_174, %mul3A_175 : i32
      "tpu.region"() ({
        %run_scoped3A = tpu.sem_alloc : memref<!tpu.dma_semaphore, #tpu.memory_space<semaphore_mem>>
        %dma_start3A = tpu.memref_slice %arg18[%mul3A_176] : memref<1024xf32, #tpu.memory_space<vmem_shared>> -> memref<32xf32, #tpu.memory_space<vmem_shared>>
        %dma_start3A_247 = tpu.memref_slice %arg18[%mul3A_176] : memref<1024xf32, #tpu.memory_space<vmem_shared>> -> memref<32xf32, #tpu.memory_space<vmem_shared>>
        tpu.enqueue_dma source(%arg12 : memref<32xf32, #tpu.memory_space<vmem>>) target(%dma_start3A_247 : memref<32xf32, #tpu.memory_space<vmem_shared>>) target_semaphore(%run_scoped3A : memref<!tpu.dma_semaphore, #tpu.memory_space<semaphore_mem>>)
        %dma_wait3A = tpu.memref_slice %arg18[%mul3A_176] : memref<1024xf32, #tpu.memory_space<vmem_shared>> -> memref<32xf32, #tpu.memory_space<vmem_shared>>
        %dma_wait3A_248 = tpu.memref_slice %arg18[%mul3A_176] : memref<1024xf32, #tpu.memory_space<vmem_shared>> -> memref<32xf32, #tpu.memory_space<vmem_shared>>
        tpu.wait_dma2 semaphore(%run_scoped3A : memref<!tpu.dma_semaphore, #tpu.memory_space<semaphore_mem>>) src(%arg12 : memref<32xf32, #tpu.memory_space<vmem>>) dst(%dma_wait3A_248 : memref<32xf32, #tpu.memory_space<vmem_shared>>)
        tpu.yield
      }) : () -> ()
      %barrier3A = arith.constant 0 : index
      tpu.barrier barrier_id(%barrier3A)
      %mul3A_177 = arith.constant 2 : i32
      %mul3A_178 = arith.muli %select_n3A_166, %mul3A_177 : i32
      %add3A_179 = arith.addi %mul3A_178, %select_n3A : i32
      %mul3A_180 = arith.constant 8 : i32
      %mul3A_181 = arith.muli %add3A_179, %mul3A_180 : i32
      %mul3A_182 = arith.constant 2 : i32
      %mul3A_183 = arith.muli %mul3A_181, %mul3A_182 : i32
      %mul3A_184 = arith.constant 16 : i32
      %mul3A_185 = arith.muli %mul3A_183, %mul3A_184 : i32
      "tpu.region"() ({
        %run_scoped3A = tpu.sem_alloc : memref<!tpu.dma_semaphore, #tpu.memory_space<semaphore_mem>>
        %dma_start3A = tpu.memref_slice %arg18[%mul3A_185] : memref<1024xf32, #tpu.memory_space<vmem_shared>> -> memref<256xf32, #tpu.memory_space<vmem_shared>>
        %dma_start3A_247 = tpu.memref_slice %arg18[%mul3A_185] : memref<1024xf32, #tpu.memory_space<vmem_shared>> -> memref<256xf32, #tpu.memory_space<vmem_shared>>
        tpu.enqueue_dma source(%dma_start3A_247 : memref<256xf32, #tpu.memory_space<vmem_shared>>) target(%arg13 : memref<256xf32, #tpu.memory_space<vmem>>) target_semaphore(%run_scoped3A : memref<!tpu.dma_semaphore, #tpu.memory_space<semaphore_mem>>)
        %dma_wait3A = tpu.memref_slice %arg18[%mul3A_185] : memref<1024xf32, #tpu.memory_space<vmem_shared>> -> memref<256xf32, #tpu.memory_space<vmem_shared>>
        %dma_wait3A_248 = tpu.memref_slice %arg18[%mul3A_185] : memref<1024xf32, #tpu.memory_space<vmem_shared>> -> memref<256xf32, #tpu.memory_space<vmem_shared>>
        tpu.wait_dma2 semaphore(%run_scoped3A : memref<!tpu.dma_semaphore, #tpu.memory_space<semaphore_mem>>) src(%dma_wait3A_248 : memref<256xf32, #tpu.memory_space<vmem_shared>>) dst(%arg13 : memref<256xf32, #tpu.memory_space<vmem>>)
        tpu.yield
      }) : () -> ()
      %get3A_186 = arith.constant 0 : index
      %get3A_187 = tpu.vector_load %arg13[%get3A_186] {strides = array<i32>} : memref<256xf32, #tpu.memory_space<vmem>>, vector<16xf32>,
      %get3A_188 = arith.constant 16 : index
      %get3A_189 = tpu.vector_load %arg13[%get3A_188] {strides = array<i32>} : memref<256xf32, #tpu.memory_space<vmem>>, vector<16xf32>,
      %bitcast3A_190 = vector.bitcast %get3A_189 : vector<16xf32> to vector<16xi32>
      %get3A_191 = arith.constant 32 : index
      %get3A_192 = tpu.vector_load %arg13[%get3A_191] {strides = array<i32>} : memref<256xf32, #tpu.memory_space<vmem>>, vector<16xf32>,
      %get3A_193 = arith.constant 48 : index
      %get3A_194 = tpu.vector_load %arg13[%get3A_193] {strides = array<i32>} : memref<256xf32, #tpu.memory_space<vmem>>, vector<16xf32>,
      %bitcast3A_195 = vector.bitcast %get3A_194 : vector<16xf32> to vector<16xi32>
      %gt3A_196 = arith.cmpf ogt, %get3A_192, %get3A_187 : vector<16xf32>
      %select_n3A_197 = arith.select %gt3A_196, %get3A_192, %get3A_187 : vector<16xi1>, vector<16xf32>
      %select_n3A_198 = arith.select %gt3A_196, %bitcast3A_195, %bitcast3A_190 : vector<16xi1>, vector<16xi32>
      %get3A_199 = arith.constant 64 : index
      %get3A_200 = tpu.vector_load %arg13[%get3A_199] {strides = array<i32>} : memref<256xf32, #tpu.memory_space<vmem>>, vector<16xf32>,
      %get3A_201 = arith.constant 80 : index
      %get3A_202 = tpu.vector_load %arg13[%get3A_201] {strides = array<i32>} : memref<256xf32, #tpu.memory_space<vmem>>, vector<16xf32>,
      %bitcast3A_203 = vector.bitcast %get3A_202 : vector<16xf32> to vector<16xi32>
      %gt3A_204 = arith.cmpf ogt, %get3A_200, %select_n3A_197 : vector<16xf32>
      %select_n3A_205 = arith.select %gt3A_204, %get3A_200, %select_n3A_197 : vector<16xi1>, vector<16xf32>
      %select_n3A_206 = arith.select %gt3A_204, %bitcast3A_203, %select_n3A_198 : vector<16xi1>, vector<16xi32>
      %get3A_207 = arith.constant 96 : index
      %get3A_208 = tpu.vector_load %arg13[%get3A_207] {strides = array<i32>} : memref<256xf32, #tpu.memory_space<vmem>>, vector<16xf32>,
      %get3A_209 = arith.constant 112 : index
      %get3A_210 = tpu.vector_load %arg13[%get3A_209] {strides = array<i32>} : memref<256xf32, #tpu.memory_space<vmem>>, vector<16xf32>,
      %bitcast3A_211 = vector.bitcast %get3A_210 : vector<16xf32> to vector<16xi32>
      %gt3A_212 = arith.cmpf ogt, %get3A_208, %select_n3A_205 : vector<16xf32>
      %select_n3A_213 = arith.select %gt3A_212, %get3A_208, %select_n3A_205 : vector<16xi1>, vector<16xf32>
      %select_n3A_214 = arith.select %gt3A_212, %bitcast3A_211, %select_n3A_206 : vector<16xi1>, vector<16xi32>
      %get3A_215 = arith.constant 128 : index
      %get3A_216 = tpu.vector_load %arg13[%get3A_215] {strides = array<i32>} : memref<256xf32, #tpu.memory_space<vmem>>, vector<16xf32>,
      %get3A_217 = arith.constant 144 : index
      %get3A_218 = tpu.vector_load %arg13[%get3A_217] {strides = array<i32>} : memref<256xf32, #tpu.memory_space<vmem>>, vector<16xf32>,
      %bitcast3A_219 = vector.bitcast %get3A_218 : vector<16xf32> to vector<16xi32>
      %gt3A_220 = arith.cmpf ogt, %get3A_216, %select_n3A_213 : vector<16xf32>
      %select_n3A_221 = arith.select %gt3A_220, %get3A_216, %select_n3A_213 : vector<16xi1>, vector<16xf32>
      %select_n3A_222 = arith.select %gt3A_220, %bitcast3A_219, %select_n3A_214 : vector<16xi1>, vector<16xi32>
      %get3A_223 = arith.constant 160 : index
      %get3A_224 = tpu.vector_load %arg13[%get3A_223] {strides = array<i32>} : memref<256xf32, #tpu.memory_space<vmem>>, vector<16xf32>,
      %get3A_225 = arith.constant 176 : index
      %get3A_226 = tpu.vector_load %arg13[%get3A_225] {strides = array<i32>} : memref<256xf32, #tpu.memory_space<vmem>>, vector<16xf32>,
      %bitcast3A_227 = vector.bitcast %get3A_226 : vector<16xf32> to vector<16xi32>
      %gt3A_228 = arith.cmpf ogt, %get3A_224, %select_n3A_221 : vector<16xf32>
      %select_n3A_229 = arith.select %gt3A_228, %get3A_224, %select_n3A_221 : vector<16xi1>, vector<16xf32>
      %select_n3A_230 = arith.select %gt3A_228, %bitcast3A_227, %select_n3A_222 : vector<16xi1>, vector<16xi32>
      %get3A_231 = arith.constant 192 : index
      %get3A_232 = tpu.vector_load %arg13[%get3A_231] {strides = array<i32>} : memref<256xf32, #tpu.memory_space<vmem>>, vector<16xf32>,
      %get3A_233 = arith.constant 208 : index
      %get3A_234 = tpu.vector_load %arg13[%get3A_233] {strides = array<i32>} : memref<256xf32, #tpu.memory_space<vmem>>, vector<16xf32>,
      %bitcast3A_235 = vector.bitcast %get3A_234 : vector<16xf32> to vector<16xi32>
      %gt3A_236 = arith.cmpf ogt, %get3A_232, %select_n3A_229 : vector<16xf32>
      %select_n3A_237 = arith.select %gt3A_236, %get3A_232, %select_n3A_229 : vector<16xi1>, vector<16xf32>
      %select_n3A_238 = arith.select %gt3A_236, %bitcast3A_235, %select_n3A_230 : vector<16xi1>, vector<16xi32>
      %get3A_239 = arith.constant 224 : index
      %get3A_240 = tpu.vector_load %arg13[%get3A_239] {strides = array<i32>} : memref<256xf32, #tpu.memory_space<vmem>>, vector<16xf32>,
      %get3A_241 = arith.constant 240 : index
      %get3A_242 = tpu.vector_load %arg13[%get3A_241] {strides = array<i32>} : memref<256xf32, #tpu.memory_space<vmem>>, vector<16xf32>,
      %bitcast3A_243 = vector.bitcast %get3A_242 : vector<16xf32> to vector<16xi32>
      %gt3A_244 = arith.cmpf ogt, %get3A_240, %select_n3A_237 : vector<16xf32>
      %select_n3A_245 = arith.select %gt3A_244, %get3A_240, %select_n3A_237 : vector<16xi1>, vector<16xf32>
      %select_n3A_246 = arith.select %gt3A_244, %bitcast3A_243, %select_n3A_238 : vector<16xi1>, vector<16xi32>
      scf.yield %select_n3A_246 : vector<16xi32>
    }
    %scan3A_44 = arith.constant 512 : i32
    %eq3A_45 = arith.constant 0 : i32
    %eq3A_46 = arith.cmpi eq, %select_n3A_28, %eq3A_45 : i32
    %convert_element_type3A = arith.extui %eq3A_46 : i1 to i32
    %cond3A = arith.constant 0 : i32
    %cond3A_47 = arith.cmpi ne, %convert_element_type3A, %cond3A : i32
    scf.if %cond3A_47 {
      %get3A = arith.constant 0 : index
      %get3A_48 = tpu.vector_load %arg14[%get3A] {strides = array<i32>} : memref<512xi32, #tpu.memory_space<vmem>>, vector<16xi32>,
      %gather3A = tpu.vector_load_idx %arg8[%get3A_48] : memref<16384xf32, #tpu.memory_space<vmem>>[vector<16xi32>], vector<16xf32>,
      %swap3A = arith.constant 0 : index
      %swap3A_49 = tpu.vector_load %arg15[%swap3A] {strides = array<i32>} : memref<512xf32, #tpu.memory_space<vmem>>, vector<16xf32>,
      tpu.vector_store %arg15[%swap3A], %gather3A {strides = array<i32>} : memref<512xf32, #tpu.memory_space<vmem>>, vector<16xf32>,
      %gather3A_50 = tpu.vector_load_idx %arg9[%get3A_48] : memref<16384xf32, #tpu.memory_space<vmem>>[vector<16xi32>], vector<16xf32>,
      %swap3A_51 = arith.constant 0 : index
      %swap3A_52 = tpu.vector_load %arg16[%swap3A_51] {strides = array<i32>} : memref<512xf32, #tpu.memory_space<vmem>>, vector<16xf32>,
      tpu.vector_store %arg16[%swap3A_51], %gather3A_50 {strides = array<i32>} : memref<512xf32, #tpu.memory_space<vmem>>, vector<16xf32>,
      %gather3A_53 = tpu.vector_load_idx %arg10[%get3A_48] : memref<16384xf32, #tpu.memory_space<vmem>>[vector<16xi32>], vector<16xf32>,
      %swap3A_54 = arith.constant 0 : index
      %swap3A_55 = tpu.vector_load %arg17[%swap3A_54] {strides = array<i32>} : memref<512xf32, #tpu.memory_space<vmem>>, vector<16xf32>,
      tpu.vector_store %arg17[%swap3A_54], %gather3A_53 {strides = array<i32>} : memref<512xf32, #tpu.memory_space<vmem>>, vector<16xf32>,
      %get3A_56 = arith.constant 16 : index
      %get3A_57 = tpu.vector_load %arg14[%get3A_56] {strides = array<i32>} : memref<512xi32, #tpu.memory_space<vmem>>, vector<16xi32>,
      %gather3A_58 = tpu.vector_load_idx %arg8[%get3A_57] : memref<16384xf32, #tpu.memory_space<vmem>>[vector<16xi32>], vector<16xf32>,
      %swap3A_59 = arith.constant 16 : index
      %swap3A_60 = tpu.vector_load %arg15[%swap3A_59] {strides = array<i32>} : memref<512xf32, #tpu.memory_space<vmem>>, vector<16xf32>,
      tpu.vector_store %arg15[%swap3A_59], %gather3A_58 {strides = array<i32>} : memref<512xf32, #tpu.memory_space<vmem>>, vector<16xf32>,
      %gather3A_61 = tpu.vector_load_idx %arg9[%get3A_57] : memref<16384xf32, #tpu.memory_space<vmem>>[vector<16xi32>], vector<16xf32>,
      %swap3A_62 = arith.constant 16 : index
      %swap3A_63 = tpu.vector_load %arg16[%swap3A_62] {strides = array<i32>} : memref<512xf32, #tpu.memory_space<vmem>>, vector<16xf32>,
      tpu.vector_store %arg16[%swap3A_62], %gather3A_61 {strides = array<i32>} : memref<512xf32, #tpu.memory_space<vmem>>, vector<16xf32>,
      %gather3A_64 = tpu.vector_load_idx %arg10[%get3A_57] : memref<16384xf32, #tpu.memory_space<vmem>>[vector<16xi32>], vector<16xf32>,
      %swap3A_65 = arith.constant 16 : index
      %swap3A_66 = tpu.vector_load %arg17[%swap3A_65] {strides = array<i32>} : memref<512xf32, #tpu.memory_space<vmem>>, vector<16xf32>,
      tpu.vector_store %arg17[%swap3A_65], %gather3A_64 {strides = array<i32>} : memref<512xf32, #tpu.memory_space<vmem>>, vector<16xf32>,
      %get3A_67 = arith.constant 32 : index
      %get3A_68 = tpu.vector_load %arg14[%get3A_67] {strides = array<i32>} : memref<512xi32, #tpu.memory_space<vmem>>, vector<16xi32>,
      %gather3A_69 = tpu.vector_load_idx %arg8[%get3A_68] : memref<16384xf32, #tpu.memory_space<vmem>>[vector<16xi32>], vector<16xf32>,
      %swap3A_70 = arith.constant 32 : index
      %swap3A_71 = tpu.vector_load %arg15[%swap3A_70] {strides = array<i32>} : memref<512xf32, #tpu.memory_space<vmem>>, vector<16xf32>,
      tpu.vector_store %arg15[%swap3A_70], %gather3A_69 {strides = array<i32>} : memref<512xf32, #tpu.memory_space<vmem>>, vector<16xf32>,
      %gather3A_72 = tpu.vector_load_idx %arg9[%get3A_68] : memref<16384xf32, #tpu.memory_space<vmem>>[vector<16xi32>], vector<16xf32>,
      %swap3A_73 = arith.constant 32 : index
      %swap3A_74 = tpu.vector_load %arg16[%swap3A_73] {strides = array<i32>} : memref<512xf32, #tpu.memory_space<vmem>>, vector<16xf32>,
      tpu.vector_store %arg16[%swap3A_73], %gather3A_72 {strides = array<i32>} : memref<512xf32, #tpu.memory_space<vmem>>, vector<16xf32>,
      %gather3A_75 = tpu.vector_load_idx %arg10[%get3A_68] : memref<16384xf32, #tpu.memory_space<vmem>>[vector<16xi32>], vector<16xf32>,
      %swap3A_76 = arith.constant 32 : index
      %swap3A_77 = tpu.vector_load %arg17[%swap3A_76] {strides = array<i32>} : memref<512xf32, #tpu.memory_space<vmem>>, vector<16xf32>,
      tpu.vector_store %arg17[%swap3A_76], %gather3A_75 {strides = array<i32>} : memref<512xf32, #tpu.memory_space<vmem>>, vector<16xf32>,
      %get3A_78 = arith.constant 48 : index
      %get3A_79 = tpu.vector_load %arg14[%get3A_78] {strides = array<i32>} : memref<512xi32, #tpu.memory_space<vmem>>, vector<16xi32>,
      %gather3A_80 = tpu.vector_load_idx %arg8[%get3A_79] : memref<16384xf32, #tpu.memory_space<vmem>>[vector<16xi32>], vector<16xf32>,
      %swap3A_81 = arith.constant 48 : index
      %swap3A_82 = tpu.vector_load %arg15[%swap3A_81] {strides = array<i32>} : memref<512xf32, #tpu.memory_space<vmem>>, vector<16xf32>,
      tpu.vector_store %arg15[%swap3A_81], %gather3A_80 {strides = array<i32>} : memref<512xf32, #tpu.memory_space<vmem>>, vector<16xf32>,
      %gather3A_83 = tpu.vector_load_idx %arg9[%get3A_79] : memref<16384xf32, #tpu.memory_space<vmem>>[vector<16xi32>], vector<16xf32>,
      %swap3A_84 = arith.constant 48 : index
      %swap3A_85 = tpu.vector_load %arg16[%swap3A_84] {strides = array<i32>} : memref<512xf32, #tpu.memory_space<vmem>>, vector<16xf32>,
      tpu.vector_store %arg16[%swap3A_84], %gather3A_83 {strides = array<i32>} : memref<512xf32, #tpu.memory_space<vmem>>, vector<16xf32>,
      %gather3A_86 = tpu.vector_load_idx %arg10[%get3A_79] : memref<16384xf32, #tpu.memory_space<vmem>>[vector<16xi32>], vector<16xf32>,
      %swap3A_87 = arith.constant 48 : index
      %swap3A_88 = tpu.vector_load %arg17[%swap3A_87] {strides = array<i32>} : memref<512xf32, #tpu.memory_space<vmem>>, vector<16xf32>,
      tpu.vector_store %arg17[%swap3A_87], %gather3A_86 {strides = array<i32>} : memref<512xf32, #tpu.memory_space<vmem>>, vector<16xf32>,
      %get3A_89 = arith.constant 64 : index
      %get3A_90 = tpu.vector_load %arg14[%get3A_89] {strides = array<i32>} : memref<512xi32, #tpu.memory_space<vmem>>, vector<16xi32>,
      %gather3A_91 = tpu.vector_load_idx %arg8[%get3A_90] : memref<16384xf32, #tpu.memory_space<vmem>>[vector<16xi32>], vector<16xf32>,
      %swap3A_92 = arith.constant 64 : index
      %swap3A_93 = tpu.vector_load %arg15[%swap3A_92] {strides = array<i32>} : memref<512xf32, #tpu.memory_space<vmem>>, vector<16xf32>,
      tpu.vector_store %arg15[%swap3A_92], %gather3A_91 {strides = array<i32>} : memref<512xf32, #tpu.memory_space<vmem>>, vector<16xf32>,
      %gather3A_94 = tpu.vector_load_idx %arg9[%get3A_90] : memref<16384xf32, #tpu.memory_space<vmem>>[vector<16xi32>], vector<16xf32>,
      %swap3A_95 = arith.constant 64 : index
      %swap3A_96 = tpu.vector_load %arg16[%swap3A_95] {strides = array<i32>} : memref<512xf32, #tpu.memory_space<vmem>>, vector<16xf32>,
      tpu.vector_store %arg16[%swap3A_95], %gather3A_94 {strides = array<i32>} : memref<512xf32, #tpu.memory_space<vmem>>, vector<16xf32>,
      %gather3A_97 = tpu.vector_load_idx %arg10[%get3A_90] : memref<16384xf32, #tpu.memory_space<vmem>>[vector<16xi32>], vector<16xf32>,
      %swap3A_98 = arith.constant 64 : index
      %swap3A_99 = tpu.vector_load %arg17[%swap3A_98] {strides = array<i32>} : memref<512xf32, #tpu.memory_space<vmem>>, vector<16xf32>,
      tpu.vector_store %arg17[%swap3A_98], %gather3A_97 {strides = array<i32>} : memref<512xf32, #tpu.memory_space<vmem>>, vector<16xf32>,
      %get3A_100 = arith.constant 80 : index
      %get3A_101 = tpu.vector_load %arg14[%get3A_100] {strides = array<i32>} : memref<512xi32, #tpu.memory_space<vmem>>, vector<16xi32>,
      %gather3A_102 = tpu.vector_load_idx %arg8[%get3A_101] : memref<16384xf32, #tpu.memory_space<vmem>>[vector<16xi32>], vector<16xf32>,
      %swap3A_103 = arith.constant 80 : index
      %swap3A_104 = tpu.vector_load %arg15[%swap3A_103] {strides = array<i32>} : memref<512xf32, #tpu.memory_space<vmem>>, vector<16xf32>,
      tpu.vector_store %arg15[%swap3A_103], %gather3A_102 {strides = array<i32>} : memref<512xf32, #tpu.memory_space<vmem>>, vector<16xf32>,
      %gather3A_105 = tpu.vector_load_idx %arg9[%get3A_101] : memref<16384xf32, #tpu.memory_space<vmem>>[vector<16xi32>], vector<16xf32>,
      %swap3A_106 = arith.constant 80 : index
      %swap3A_107 = tpu.vector_load %arg16[%swap3A_106] {strides = array<i32>} : memref<512xf32, #tpu.memory_space<vmem>>, vector<16xf32>,
      tpu.vector_store %arg16[%swap3A_106], %gather3A_105 {strides = array<i32>} : memref<512xf32, #tpu.memory_space<vmem>>, vector<16xf32>,
      %gather3A_108 = tpu.vector_load_idx %arg10[%get3A_101] : memref<16384xf32, #tpu.memory_space<vmem>>[vector<16xi32>], vector<16xf32>,
      %swap3A_109 = arith.constant 80 : index
      %swap3A_110 = tpu.vector_load %arg17[%swap3A_109] {strides = array<i32>} : memref<512xf32, #tpu.memory_space<vmem>>, vector<16xf32>,
      tpu.vector_store %arg17[%swap3A_109], %gather3A_108 {strides = array<i32>} : memref<512xf32, #tpu.memory_space<vmem>>, vector<16xf32>,
      %get3A_111 = arith.constant 96 : index
      %get3A_112 = tpu.vector_load %arg14[%get3A_111] {strides = array<i32>} : memref<512xi32, #tpu.memory_space<vmem>>, vector<16xi32>,
      %gather3A_113 = tpu.vector_load_idx %arg8[%get3A_112] : memref<16384xf32, #tpu.memory_space<vmem>>[vector<16xi32>], vector<16xf32>,
      %swap3A_114 = arith.constant 96 : index
      %swap3A_115 = tpu.vector_load %arg15[%swap3A_114] {strides = array<i32>} : memref<512xf32, #tpu.memory_space<vmem>>, vector<16xf32>,
      tpu.vector_store %arg15[%swap3A_114], %gather3A_113 {strides = array<i32>} : memref<512xf32, #tpu.memory_space<vmem>>, vector<16xf32>,
      %gather3A_116 = tpu.vector_load_idx %arg9[%get3A_112] : memref<16384xf32, #tpu.memory_space<vmem>>[vector<16xi32>], vector<16xf32>,
      %swap3A_117 = arith.constant 96 : index
      %swap3A_118 = tpu.vector_load %arg16[%swap3A_117] {strides = array<i32>} : memref<512xf32, #tpu.memory_space<vmem>>, vector<16xf32>,
      tpu.vector_store %arg16[%swap3A_117], %gather3A_116 {strides = array<i32>} : memref<512xf32, #tpu.memory_space<vmem>>, vector<16xf32>,
      %gather3A_119 = tpu.vector_load_idx %arg10[%get3A_112] : memref<16384xf32, #tpu.memory_space<vmem>>[vector<16xi32>], vector<16xf32>,
      %swap3A_120 = arith.constant 96 : index
      %swap3A_121 = tpu.vector_load %arg17[%swap3A_120] {strides = array<i32>} : memref<512xf32, #tpu.memory_space<vmem>>, vector<16xf32>,
      tpu.vector_store %arg17[%swap3A_120], %gather3A_119 {strides = array<i32>} : memref<512xf32, #tpu.memory_space<vmem>>, vector<16xf32>,
      %get3A_122 = arith.constant 112 : index
      %get3A_123 = tpu.vector_load %arg14[%get3A_122] {strides = array<i32>} : memref<512xi32, #tpu.memory_space<vmem>>, vector<16xi32>,
      %gather3A_124 = tpu.vector_load_idx %arg8[%get3A_123] : memref<16384xf32, #tpu.memory_space<vmem>>[vector<16xi32>], vector<16xf32>,
      %swap3A_125 = arith.constant 112 : index
      %swap3A_126 = tpu.vector_load %arg15[%swap3A_125] {strides = array<i32>} : memref<512xf32, #tpu.memory_space<vmem>>, vector<16xf32>,
      tpu.vector_store %arg15[%swap3A_125], %gather3A_124 {strides = array<i32>} : memref<512xf32, #tpu.memory_space<vmem>>, vector<16xf32>,
      %gather3A_127 = tpu.vector_load_idx %arg9[%get3A_123] : memref<16384xf32, #tpu.memory_space<vmem>>[vector<16xi32>], vector<16xf32>,
      %swap3A_128 = arith.constant 112 : index
      %swap3A_129 = tpu.vector_load %arg16[%swap3A_128] {strides = array<i32>} : memref<512xf32, #tpu.memory_space<vmem>>, vector<16xf32>,
      tpu.vector_store %arg16[%swap3A_128], %gather3A_127 {strides = array<i32>} : memref<512xf32, #tpu.memory_space<vmem>>, vector<16xf32>,
      %gather3A_130 = tpu.vector_load_idx %arg10[%get3A_123] : memref<16384xf32, #tpu.memory_space<vmem>>[vector<16xi32>], vector<16xf32>,
      %swap3A_131 = arith.constant 112 : index
      %swap3A_132 = tpu.vector_load %arg17[%swap3A_131] {strides = array<i32>} : memref<512xf32, #tpu.memory_space<vmem>>, vector<16xf32>,
      tpu.vector_store %arg17[%swap3A_131], %gather3A_130 {strides = array<i32>} : memref<512xf32, #tpu.memory_space<vmem>>, vector<16xf32>,
      %get3A_133 = arith.constant 128 : index
      %get3A_134 = tpu.vector_load %arg14[%get3A_133] {strides = array<i32>} : memref<512xi32, #tpu.memory_space<vmem>>, vector<16xi32>,
      %gather3A_135 = tpu.vector_load_idx %arg8[%get3A_134] : memref<16384xf32, #tpu.memory_space<vmem>>[vector<16xi32>], vector<16xf32>,
      %swap3A_136 = arith.constant 128 : index
      %swap3A_137 = tpu.vector_load %arg15[%swap3A_136] {strides = array<i32>} : memref<512xf32, #tpu.memory_space<vmem>>, vector<16xf32>,
      tpu.vector_store %arg15[%swap3A_136], %gather3A_135 {strides = array<i32>} : memref<512xf32, #tpu.memory_space<vmem>>, vector<16xf32>,
      %gather3A_138 = tpu.vector_load_idx %arg9[%get3A_134] : memref<16384xf32, #tpu.memory_space<vmem>>[vector<16xi32>], vector<16xf32>,
      %swap3A_139 = arith.constant 128 : index
      %swap3A_140 = tpu.vector_load %arg16[%swap3A_139] {strides = array<i32>} : memref<512xf32, #tpu.memory_space<vmem>>, vector<16xf32>,
      tpu.vector_store %arg16[%swap3A_139], %gather3A_138 {strides = array<i32>} : memref<512xf32, #tpu.memory_space<vmem>>, vector<16xf32>,
      %gather3A_141 = tpu.vector_load_idx %arg10[%get3A_134] : memref<16384xf32, #tpu.memory_space<vmem>>[vector<16xi32>], vector<16xf32>,
      %swap3A_142 = arith.constant 128 : index
      %swap3A_143 = tpu.vector_load %arg17[%swap3A_142] {strides = array<i32>} : memref<512xf32, #tpu.memory_space<vmem>>, vector<16xf32>,
      tpu.vector_store %arg17[%swap3A_142], %gather3A_141 {strides = array<i32>} : memref<512xf32, #tpu.memory_space<vmem>>, vector<16xf32>,
      %get3A_144 = arith.constant 144 : index
      %get3A_145 = tpu.vector_load %arg14[%get3A_144] {strides = array<i32>} : memref<512xi32, #tpu.memory_space<vmem>>, vector<16xi32>,
      %gather3A_146 = tpu.vector_load_idx %arg8[%get3A_145] : memref<16384xf32, #tpu.memory_space<vmem>>[vector<16xi32>], vector<16xf32>,
      %swap3A_147 = arith.constant 144 : index
      %swap3A_148 = tpu.vector_load %arg15[%swap3A_147] {strides = array<i32>} : memref<512xf32, #tpu.memory_space<vmem>>, vector<16xf32>,
      tpu.vector_store %arg15[%swap3A_147], %gather3A_146 {strides = array<i32>} : memref<512xf32, #tpu.memory_space<vmem>>, vector<16xf32>,
      %gather3A_149 = tpu.vector_load_idx %arg9[%get3A_145] : memref<16384xf32, #tpu.memory_space<vmem>>[vector<16xi32>], vector<16xf32>,
      %swap3A_150 = arith.constant 144 : index
      %swap3A_151 = tpu.vector_load %arg16[%swap3A_150] {strides = array<i32>} : memref<512xf32, #tpu.memory_space<vmem>>, vector<16xf32>,
      tpu.vector_store %arg16[%swap3A_150], %gather3A_149 {strides = array<i32>} : memref<512xf32, #tpu.memory_space<vmem>>, vector<16xf32>,
      %gather3A_152 = tpu.vector_load_idx %arg10[%get3A_145] : memref<16384xf32, #tpu.memory_space<vmem>>[vector<16xi32>], vector<16xf32>,
      %swap3A_153 = arith.constant 144 : index
      %swap3A_154 = tpu.vector_load %arg17[%swap3A_153] {strides = array<i32>} : memref<512xf32, #tpu.memory_space<vmem>>, vector<16xf32>,
      tpu.vector_store %arg17[%swap3A_153], %gather3A_152 {strides = array<i32>} : memref<512xf32, #tpu.memory_space<vmem>>, vector<16xf32>,
      %get3A_155 = arith.constant 160 : index
      %get3A_156 = tpu.vector_load %arg14[%get3A_155] {strides = array<i32>} : memref<512xi32, #tpu.memory_space<vmem>>, vector<16xi32>,
      %gather3A_157 = tpu.vector_load_idx %arg8[%get3A_156] : memref<16384xf32, #tpu.memory_space<vmem>>[vector<16xi32>], vector<16xf32>,
      %swap3A_158 = arith.constant 160 : index
      %swap3A_159 = tpu.vector_load %arg15[%swap3A_158] {strides = array<i32>} : memref<512xf32, #tpu.memory_space<vmem>>, vector<16xf32>,
      tpu.vector_store %arg15[%swap3A_158], %gather3A_157 {strides = array<i32>} : memref<512xf32, #tpu.memory_space<vmem>>, vector<16xf32>,
      %gather3A_160 = tpu.vector_load_idx %arg9[%get3A_156] : memref<16384xf32, #tpu.memory_space<vmem>>[vector<16xi32>], vector<16xf32>,
      %swap3A_161 = arith.constant 160 : index
      %swap3A_162 = tpu.vector_load %arg16[%swap3A_161] {strides = array<i32>} : memref<512xf32, #tpu.memory_space<vmem>>, vector<16xf32>,
      tpu.vector_store %arg16[%swap3A_161], %gather3A_160 {strides = array<i32>} : memref<512xf32, #tpu.memory_space<vmem>>, vector<16xf32>,
      %gather3A_163 = tpu.vector_load_idx %arg10[%get3A_156] : memref<16384xf32, #tpu.memory_space<vmem>>[vector<16xi32>], vector<16xf32>,
      %swap3A_164 = arith.constant 160 : index
      %swap3A_165 = tpu.vector_load %arg17[%swap3A_164] {strides = array<i32>} : memref<512xf32, #tpu.memory_space<vmem>>, vector<16xf32>,
      tpu.vector_store %arg17[%swap3A_164], %gather3A_163 {strides = array<i32>} : memref<512xf32, #tpu.memory_space<vmem>>, vector<16xf32>,
      %get3A_166 = arith.constant 176 : index
      %get3A_167 = tpu.vector_load %arg14[%get3A_166] {strides = array<i32>} : memref<512xi32, #tpu.memory_space<vmem>>, vector<16xi32>,
      %gather3A_168 = tpu.vector_load_idx %arg8[%get3A_167] : memref<16384xf32, #tpu.memory_space<vmem>>[vector<16xi32>], vector<16xf32>,
      %swap3A_169 = arith.constant 176 : index
      %swap3A_170 = tpu.vector_load %arg15[%swap3A_169] {strides = array<i32>} : memref<512xf32, #tpu.memory_space<vmem>>, vector<16xf32>,
      tpu.vector_store %arg15[%swap3A_169], %gather3A_168 {strides = array<i32>} : memref<512xf32, #tpu.memory_space<vmem>>, vector<16xf32>,
      %gather3A_171 = tpu.vector_load_idx %arg9[%get3A_167] : memref<16384xf32, #tpu.memory_space<vmem>>[vector<16xi32>], vector<16xf32>,
      %swap3A_172 = arith.constant 176 : index
      %swap3A_173 = tpu.vector_load %arg16[%swap3A_172] {strides = array<i32>} : memref<512xf32, #tpu.memory_space<vmem>>, vector<16xf32>,
      tpu.vector_store %arg16[%swap3A_172], %gather3A_171 {strides = array<i32>} : memref<512xf32, #tpu.memory_space<vmem>>, vector<16xf32>,
      %gather3A_174 = tpu.vector_load_idx %arg10[%get3A_167] : memref<16384xf32, #tpu.memory_space<vmem>>[vector<16xi32>], vector<16xf32>,
      %swap3A_175 = arith.constant 176 : index
      %swap3A_176 = tpu.vector_load %arg17[%swap3A_175] {strides = array<i32>} : memref<512xf32, #tpu.memory_space<vmem>>, vector<16xf32>,
      tpu.vector_store %arg17[%swap3A_175], %gather3A_174 {strides = array<i32>} : memref<512xf32, #tpu.memory_space<vmem>>, vector<16xf32>,
      %get3A_177 = arith.constant 192 : index
      %get3A_178 = tpu.vector_load %arg14[%get3A_177] {strides = array<i32>} : memref<512xi32, #tpu.memory_space<vmem>>, vector<16xi32>,
      %gather3A_179 = tpu.vector_load_idx %arg8[%get3A_178] : memref<16384xf32, #tpu.memory_space<vmem>>[vector<16xi32>], vector<16xf32>,
      %swap3A_180 = arith.constant 192 : index
      %swap3A_181 = tpu.vector_load %arg15[%swap3A_180] {strides = array<i32>} : memref<512xf32, #tpu.memory_space<vmem>>, vector<16xf32>,
      tpu.vector_store %arg15[%swap3A_180], %gather3A_179 {strides = array<i32>} : memref<512xf32, #tpu.memory_space<vmem>>, vector<16xf32>,
      %gather3A_182 = tpu.vector_load_idx %arg9[%get3A_178] : memref<16384xf32, #tpu.memory_space<vmem>>[vector<16xi32>], vector<16xf32>,
      %swap3A_183 = arith.constant 192 : index
      %swap3A_184 = tpu.vector_load %arg16[%swap3A_183] {strides = array<i32>} : memref<512xf32, #tpu.memory_space<vmem>>, vector<16xf32>,
      tpu.vector_store %arg16[%swap3A_183], %gather3A_182 {strides = array<i32>} : memref<512xf32, #tpu.memory_space<vmem>>, vector<16xf32>,
      %gather3A_185 = tpu.vector_load_idx %arg10[%get3A_178] : memref<16384xf32, #tpu.memory_space<vmem>>[vector<16xi32>], vector<16xf32>,
      %swap3A_186 = arith.constant 192 : index
      %swap3A_187 = tpu.vector_load %arg17[%swap3A_186] {strides = array<i32>} : memref<512xf32, #tpu.memory_space<vmem>>, vector<16xf32>,
      tpu.vector_store %arg17[%swap3A_186], %gather3A_185 {strides = array<i32>} : memref<512xf32, #tpu.memory_space<vmem>>, vector<16xf32>,
      %get3A_188 = arith.constant 208 : index
      %get3A_189 = tpu.vector_load %arg14[%get3A_188] {strides = array<i32>} : memref<512xi32, #tpu.memory_space<vmem>>, vector<16xi32>,
      %gather3A_190 = tpu.vector_load_idx %arg8[%get3A_189] : memref<16384xf32, #tpu.memory_space<vmem>>[vector<16xi32>], vector<16xf32>,
      %swap3A_191 = arith.constant 208 : index
      %swap3A_192 = tpu.vector_load %arg15[%swap3A_191] {strides = array<i32>} : memref<512xf32, #tpu.memory_space<vmem>>, vector<16xf32>,
      tpu.vector_store %arg15[%swap3A_191], %gather3A_190 {strides = array<i32>} : memref<512xf32, #tpu.memory_space<vmem>>, vector<16xf32>,
      %gather3A_193 = tpu.vector_load_idx %arg9[%get3A_189] : memref<16384xf32, #tpu.memory_space<vmem>>[vector<16xi32>], vector<16xf32>,
      %swap3A_194 = arith.constant 208 : index
      %swap3A_195 = tpu.vector_load %arg16[%swap3A_194] {strides = array<i32>} : memref<512xf32, #tpu.memory_space<vmem>>, vector<16xf32>,
      tpu.vector_store %arg16[%swap3A_194], %gather3A_193 {strides = array<i32>} : memref<512xf32, #tpu.memory_space<vmem>>, vector<16xf32>,
      %gather3A_196 = tpu.vector_load_idx %arg10[%get3A_189] : memref<16384xf32, #tpu.memory_space<vmem>>[vector<16xi32>], vector<16xf32>,
      %swap3A_197 = arith.constant 208 : index
      %swap3A_198 = tpu.vector_load %arg17[%swap3A_197] {strides = array<i32>} : memref<512xf32, #tpu.memory_space<vmem>>, vector<16xf32>,
      tpu.vector_store %arg17[%swap3A_197], %gather3A_196 {strides = array<i32>} : memref<512xf32, #tpu.memory_space<vmem>>, vector<16xf32>,
      %get3A_199 = arith.constant 224 : index
      %get3A_200 = tpu.vector_load %arg14[%get3A_199] {strides = array<i32>} : memref<512xi32, #tpu.memory_space<vmem>>, vector<16xi32>,
      %gather3A_201 = tpu.vector_load_idx %arg8[%get3A_200] : memref<16384xf32, #tpu.memory_space<vmem>>[vector<16xi32>], vector<16xf32>,
      %swap3A_202 = arith.constant 224 : index
      %swap3A_203 = tpu.vector_load %arg15[%swap3A_202] {strides = array<i32>} : memref<512xf32, #tpu.memory_space<vmem>>, vector<16xf32>,
      tpu.vector_store %arg15[%swap3A_202], %gather3A_201 {strides = array<i32>} : memref<512xf32, #tpu.memory_space<vmem>>, vector<16xf32>,
      %gather3A_204 = tpu.vector_load_idx %arg9[%get3A_200] : memref<16384xf32, #tpu.memory_space<vmem>>[vector<16xi32>], vector<16xf32>,
      %swap3A_205 = arith.constant 224 : index
      %swap3A_206 = tpu.vector_load %arg16[%swap3A_205] {strides = array<i32>} : memref<512xf32, #tpu.memory_space<vmem>>, vector<16xf32>,
      tpu.vector_store %arg16[%swap3A_205], %gather3A_204 {strides = array<i32>} : memref<512xf32, #tpu.memory_space<vmem>>, vector<16xf32>,
      %gather3A_207 = tpu.vector_load_idx %arg10[%get3A_200] : memref<16384xf32, #tpu.memory_space<vmem>>[vector<16xi32>], vector<16xf32>,
      %swap3A_208 = arith.constant 224 : index
      %swap3A_209 = tpu.vector_load %arg17[%swap3A_208] {strides = array<i32>} : memref<512xf32, #tpu.memory_space<vmem>>, vector<16xf32>,
      tpu.vector_store %arg17[%swap3A_208], %gather3A_207 {strides = array<i32>} : memref<512xf32, #tpu.memory_space<vmem>>, vector<16xf32>,
      %get3A_210 = arith.constant 240 : index
      %get3A_211 = tpu.vector_load %arg14[%get3A_210] {strides = array<i32>} : memref<512xi32, #tpu.memory_space<vmem>>, vector<16xi32>,
      %gather3A_212 = tpu.vector_load_idx %arg8[%get3A_211] : memref<16384xf32, #tpu.memory_space<vmem>>[vector<16xi32>], vector<16xf32>,
      %swap3A_213 = arith.constant 240 : index
      %swap3A_214 = tpu.vector_load %arg15[%swap3A_213] {strides = array<i32>} : memref<512xf32, #tpu.memory_space<vmem>>, vector<16xf32>,
      tpu.vector_store %arg15[%swap3A_213], %gather3A_212 {strides = array<i32>} : memref<512xf32, #tpu.memory_space<vmem>>, vector<16xf32>,
      %gather3A_215 = tpu.vector_load_idx %arg9[%get3A_211] : memref<16384xf32, #tpu.memory_space<vmem>>[vector<16xi32>], vector<16xf32>,
      %swap3A_216 = arith.constant 240 : index
      %swap3A_217 = tpu.vector_load %arg16[%swap3A_216] {strides = array<i32>} : memref<512xf32, #tpu.memory_space<vmem>>, vector<16xf32>,
      tpu.vector_store %arg16[%swap3A_216], %gather3A_215 {strides = array<i32>} : memref<512xf32, #tpu.memory_space<vmem>>, vector<16xf32>,
      %gather3A_218 = tpu.vector_load_idx %arg10[%get3A_211] : memref<16384xf32, #tpu.memory_space<vmem>>[vector<16xi32>], vector<16xf32>,
      %swap3A_219 = arith.constant 240 : index
      %swap3A_220 = tpu.vector_load %arg17[%swap3A_219] {strides = array<i32>} : memref<512xf32, #tpu.memory_space<vmem>>, vector<16xf32>,
      tpu.vector_store %arg17[%swap3A_219], %gather3A_218 {strides = array<i32>} : memref<512xf32, #tpu.memory_space<vmem>>, vector<16xf32>,
      %get3A_221 = arith.constant 256 : index
      %get3A_222 = tpu.vector_load %arg14[%get3A_221] {strides = array<i32>} : memref<512xi32, #tpu.memory_space<vmem>>, vector<16xi32>,
      %gather3A_223 = tpu.vector_load_idx %arg8[%get3A_222] : memref<16384xf32, #tpu.memory_space<vmem>>[vector<16xi32>], vector<16xf32>,
      %swap3A_224 = arith.constant 256 : index
      %swap3A_225 = tpu.vector_load %arg15[%swap3A_224] {strides = array<i32>} : memref<512xf32, #tpu.memory_space<vmem>>, vector<16xf32>,
      tpu.vector_store %arg15[%swap3A_224], %gather3A_223 {strides = array<i32>} : memref<512xf32, #tpu.memory_space<vmem>>, vector<16xf32>,
      %gather3A_226 = tpu.vector_load_idx %arg9[%get3A_222] : memref<16384xf32, #tpu.memory_space<vmem>>[vector<16xi32>], vector<16xf32>,
      %swap3A_227 = arith.constant 256 : index
      %swap3A_228 = tpu.vector_load %arg16[%swap3A_227] {strides = array<i32>} : memref<512xf32, #tpu.memory_space<vmem>>, vector<16xf32>,
      tpu.vector_store %arg16[%swap3A_227], %gather3A_226 {strides = array<i32>} : memref<512xf32, #tpu.memory_space<vmem>>, vector<16xf32>,
      %gather3A_229 = tpu.vector_load_idx %arg10[%get3A_222] : memref<16384xf32, #tpu.memory_space<vmem>>[vector<16xi32>], vector<16xf32>,
      %swap3A_230 = arith.constant 256 : index
      %swap3A_231 = tpu.vector_load %arg17[%swap3A_230] {strides = array<i32>} : memref<512xf32, #tpu.memory_space<vmem>>, vector<16xf32>,
      tpu.vector_store %arg17[%swap3A_230], %gather3A_229 {strides = array<i32>} : memref<512xf32, #tpu.memory_space<vmem>>, vector<16xf32>,
      %get3A_232 = arith.constant 272 : index
      %get3A_233 = tpu.vector_load %arg14[%get3A_232] {strides = array<i32>} : memref<512xi32, #tpu.memory_space<vmem>>, vector<16xi32>,
      %gather3A_234 = tpu.vector_load_idx %arg8[%get3A_233] : memref<16384xf32, #tpu.memory_space<vmem>>[vector<16xi32>], vector<16xf32>,
      %swap3A_235 = arith.constant 272 : index
      %swap3A_236 = tpu.vector_load %arg15[%swap3A_235] {strides = array<i32>} : memref<512xf32, #tpu.memory_space<vmem>>, vector<16xf32>,
      tpu.vector_store %arg15[%swap3A_235], %gather3A_234 {strides = array<i32>} : memref<512xf32, #tpu.memory_space<vmem>>, vector<16xf32>,
      %gather3A_237 = tpu.vector_load_idx %arg9[%get3A_233] : memref<16384xf32, #tpu.memory_space<vmem>>[vector<16xi32>], vector<16xf32>,
      %swap3A_238 = arith.constant 272 : index
      %swap3A_239 = tpu.vector_load %arg16[%swap3A_238] {strides = array<i32>} : memref<512xf32, #tpu.memory_space<vmem>>, vector<16xf32>,
      tpu.vector_store %arg16[%swap3A_238], %gather3A_237 {strides = array<i32>} : memref<512xf32, #tpu.memory_space<vmem>>, vector<16xf32>,
      %gather3A_240 = tpu.vector_load_idx %arg10[%get3A_233] : memref<16384xf32, #tpu.memory_space<vmem>>[vector<16xi32>], vector<16xf32>,
      %swap3A_241 = arith.constant 272 : index
      %swap3A_242 = tpu.vector_load %arg17[%swap3A_241] {strides = array<i32>} : memref<512xf32, #tpu.memory_space<vmem>>, vector<16xf32>,
      tpu.vector_store %arg17[%swap3A_241], %gather3A_240 {strides = array<i32>} : memref<512xf32, #tpu.memory_space<vmem>>, vector<16xf32>,
      %get3A_243 = arith.constant 288 : index
      %get3A_244 = tpu.vector_load %arg14[%get3A_243] {strides = array<i32>} : memref<512xi32, #tpu.memory_space<vmem>>, vector<16xi32>,
      %gather3A_245 = tpu.vector_load_idx %arg8[%get3A_244] : memref<16384xf32, #tpu.memory_space<vmem>>[vector<16xi32>], vector<16xf32>,
      %swap3A_246 = arith.constant 288 : index
      %swap3A_247 = tpu.vector_load %arg15[%swap3A_246] {strides = array<i32>} : memref<512xf32, #tpu.memory_space<vmem>>, vector<16xf32>,
      tpu.vector_store %arg15[%swap3A_246], %gather3A_245 {strides = array<i32>} : memref<512xf32, #tpu.memory_space<vmem>>, vector<16xf32>,
      %gather3A_248 = tpu.vector_load_idx %arg9[%get3A_244] : memref<16384xf32, #tpu.memory_space<vmem>>[vector<16xi32>], vector<16xf32>,
      %swap3A_249 = arith.constant 288 : index
      %swap3A_250 = tpu.vector_load %arg16[%swap3A_249] {strides = array<i32>} : memref<512xf32, #tpu.memory_space<vmem>>, vector<16xf32>,
      tpu.vector_store %arg16[%swap3A_249], %gather3A_248 {strides = array<i32>} : memref<512xf32, #tpu.memory_space<vmem>>, vector<16xf32>,
      %gather3A_251 = tpu.vector_load_idx %arg10[%get3A_244] : memref<16384xf32, #tpu.memory_space<vmem>>[vector<16xi32>], vector<16xf32>,
      %swap3A_252 = arith.constant 288 : index
      %swap3A_253 = tpu.vector_load %arg17[%swap3A_252] {strides = array<i32>} : memref<512xf32, #tpu.memory_space<vmem>>, vector<16xf32>,
      tpu.vector_store %arg17[%swap3A_252], %gather3A_251 {strides = array<i32>} : memref<512xf32, #tpu.memory_space<vmem>>, vector<16xf32>,
      %get3A_254 = arith.constant 304 : index
      %get3A_255 = tpu.vector_load %arg14[%get3A_254] {strides = array<i32>} : memref<512xi32, #tpu.memory_space<vmem>>, vector<16xi32>,
      %gather3A_256 = tpu.vector_load_idx %arg8[%get3A_255] : memref<16384xf32, #tpu.memory_space<vmem>>[vector<16xi32>], vector<16xf32>,
      %swap3A_257 = arith.constant 304 : index
      %swap3A_258 = tpu.vector_load %arg15[%swap3A_257] {strides = array<i32>} : memref<512xf32, #tpu.memory_space<vmem>>, vector<16xf32>,
      tpu.vector_store %arg15[%swap3A_257], %gather3A_256 {strides = array<i32>} : memref<512xf32, #tpu.memory_space<vmem>>, vector<16xf32>,
      %gather3A_259 = tpu.vector_load_idx %arg9[%get3A_255] : memref<16384xf32, #tpu.memory_space<vmem>>[vector<16xi32>], vector<16xf32>,
      %swap3A_260 = arith.constant 304 : index
      %swap3A_261 = tpu.vector_load %arg16[%swap3A_260] {strides = array<i32>} : memref<512xf32, #tpu.memory_space<vmem>>, vector<16xf32>,
      tpu.vector_store %arg16[%swap3A_260], %gather3A_259 {strides = array<i32>} : memref<512xf32, #tpu.memory_space<vmem>>, vector<16xf32>,
      %gather3A_262 = tpu.vector_load_idx %arg10[%get3A_255] : memref<16384xf32, #tpu.memory_space<vmem>>[vector<16xi32>], vector<16xf32>,
      %swap3A_263 = arith.constant 304 : index
      %swap3A_264 = tpu.vector_load %arg17[%swap3A_263] {strides = array<i32>} : memref<512xf32, #tpu.memory_space<vmem>>, vector<16xf32>,
      tpu.vector_store %arg17[%swap3A_263], %gather3A_262 {strides = array<i32>} : memref<512xf32, #tpu.memory_space<vmem>>, vector<16xf32>,
      %get3A_265 = arith.constant 320 : index
      %get3A_266 = tpu.vector_load %arg14[%get3A_265] {strides = array<i32>} : memref<512xi32, #tpu.memory_space<vmem>>, vector<16xi32>,
      %gather3A_267 = tpu.vector_load_idx %arg8[%get3A_266] : memref<16384xf32, #tpu.memory_space<vmem>>[vector<16xi32>], vector<16xf32>,
      %swap3A_268 = arith.constant 320 : index
      %swap3A_269 = tpu.vector_load %arg15[%swap3A_268] {strides = array<i32>} : memref<512xf32, #tpu.memory_space<vmem>>, vector<16xf32>,
      tpu.vector_store %arg15[%swap3A_268], %gather3A_267 {strides = array<i32>} : memref<512xf32, #tpu.memory_space<vmem>>, vector<16xf32>,
      %gather3A_270 = tpu.vector_load_idx %arg9[%get3A_266] : memref<16384xf32, #tpu.memory_space<vmem>>[vector<16xi32>], vector<16xf32>,
      %swap3A_271 = arith.constant 320 : index
      %swap3A_272 = tpu.vector_load %arg16[%swap3A_271] {strides = array<i32>} : memref<512xf32, #tpu.memory_space<vmem>>, vector<16xf32>,
      tpu.vector_store %arg16[%swap3A_271], %gather3A_270 {strides = array<i32>} : memref<512xf32, #tpu.memory_space<vmem>>, vector<16xf32>,
      %gather3A_273 = tpu.vector_load_idx %arg10[%get3A_266] : memref<16384xf32, #tpu.memory_space<vmem>>[vector<16xi32>], vector<16xf32>,
      %swap3A_274 = arith.constant 320 : index
      %swap3A_275 = tpu.vector_load %arg17[%swap3A_274] {strides = array<i32>} : memref<512xf32, #tpu.memory_space<vmem>>, vector<16xf32>,
      tpu.vector_store %arg17[%swap3A_274], %gather3A_273 {strides = array<i32>} : memref<512xf32, #tpu.memory_space<vmem>>, vector<16xf32>,
      %get3A_276 = arith.constant 336 : index
      %get3A_277 = tpu.vector_load %arg14[%get3A_276] {strides = array<i32>} : memref<512xi32, #tpu.memory_space<vmem>>, vector<16xi32>,
      %gather3A_278 = tpu.vector_load_idx %arg8[%get3A_277] : memref<16384xf32, #tpu.memory_space<vmem>>[vector<16xi32>], vector<16xf32>,
      %swap3A_279 = arith.constant 336 : index
      %swap3A_280 = tpu.vector_load %arg15[%swap3A_279] {strides = array<i32>} : memref<512xf32, #tpu.memory_space<vmem>>, vector<16xf32>,
      tpu.vector_store %arg15[%swap3A_279], %gather3A_278 {strides = array<i32>} : memref<512xf32, #tpu.memory_space<vmem>>, vector<16xf32>,
      %gather3A_281 = tpu.vector_load_idx %arg9[%get3A_277] : memref<16384xf32, #tpu.memory_space<vmem>>[vector<16xi32>], vector<16xf32>,
      %swap3A_282 = arith.constant 336 : index
      %swap3A_283 = tpu.vector_load %arg16[%swap3A_282] {strides = array<i32>} : memref<512xf32, #tpu.memory_space<vmem>>, vector<16xf32>,
      tpu.vector_store %arg16[%swap3A_282], %gather3A_281 {strides = array<i32>} : memref<512xf32, #tpu.memory_space<vmem>>, vector<16xf32>,
      %gather3A_284 = tpu.vector_load_idx %arg10[%get3A_277] : memref<16384xf32, #tpu.memory_space<vmem>>[vector<16xi32>], vector<16xf32>,
      %swap3A_285 = arith.constant 336 : index
      %swap3A_286 = tpu.vector_load %arg17[%swap3A_285] {strides = array<i32>} : memref<512xf32, #tpu.memory_space<vmem>>, vector<16xf32>,
      tpu.vector_store %arg17[%swap3A_285], %gather3A_284 {strides = array<i32>} : memref<512xf32, #tpu.memory_space<vmem>>, vector<16xf32>,
      %get3A_287 = arith.constant 352 : index
      %get3A_288 = tpu.vector_load %arg14[%get3A_287] {strides = array<i32>} : memref<512xi32, #tpu.memory_space<vmem>>, vector<16xi32>,
      %gather3A_289 = tpu.vector_load_idx %arg8[%get3A_288] : memref<16384xf32, #tpu.memory_space<vmem>>[vector<16xi32>], vector<16xf32>,
      %swap3A_290 = arith.constant 352 : index
      %swap3A_291 = tpu.vector_load %arg15[%swap3A_290] {strides = array<i32>} : memref<512xf32, #tpu.memory_space<vmem>>, vector<16xf32>,
      tpu.vector_store %arg15[%swap3A_290], %gather3A_289 {strides = array<i32>} : memref<512xf32, #tpu.memory_space<vmem>>, vector<16xf32>,
      %gather3A_292 = tpu.vector_load_idx %arg9[%get3A_288] : memref<16384xf32, #tpu.memory_space<vmem>>[vector<16xi32>], vector<16xf32>,
      %swap3A_293 = arith.constant 352 : index
      %swap3A_294 = tpu.vector_load %arg16[%swap3A_293] {strides = array<i32>} : memref<512xf32, #tpu.memory_space<vmem>>, vector<16xf32>,
      tpu.vector_store %arg16[%swap3A_293], %gather3A_292 {strides = array<i32>} : memref<512xf32, #tpu.memory_space<vmem>>, vector<16xf32>,
      %gather3A_295 = tpu.vector_load_idx %arg10[%get3A_288] : memref<16384xf32, #tpu.memory_space<vmem>>[vector<16xi32>], vector<16xf32>,
      %swap3A_296 = arith.constant 352 : index
      %swap3A_297 = tpu.vector_load %arg17[%swap3A_296] {strides = array<i32>} : memref<512xf32, #tpu.memory_space<vmem>>, vector<16xf32>,
      tpu.vector_store %arg17[%swap3A_296], %gather3A_295 {strides = array<i32>} : memref<512xf32, #tpu.memory_space<vmem>>, vector<16xf32>,
      %get3A_298 = arith.constant 368 : index
      %get3A_299 = tpu.vector_load %arg14[%get3A_298] {strides = array<i32>} : memref<512xi32, #tpu.memory_space<vmem>>, vector<16xi32>,
      %gather3A_300 = tpu.vector_load_idx %arg8[%get3A_299] : memref<16384xf32, #tpu.memory_space<vmem>>[vector<16xi32>], vector<16xf32>,
      %swap3A_301 = arith.constant 368 : index
      %swap3A_302 = tpu.vector_load %arg15[%swap3A_301] {strides = array<i32>} : memref<512xf32, #tpu.memory_space<vmem>>, vector<16xf32>,
      tpu.vector_store %arg15[%swap3A_301], %gather3A_300 {strides = array<i32>} : memref<512xf32, #tpu.memory_space<vmem>>, vector<16xf32>,
      %gather3A_303 = tpu.vector_load_idx %arg9[%get3A_299] : memref<16384xf32, #tpu.memory_space<vmem>>[vector<16xi32>], vector<16xf32>,
      %swap3A_304 = arith.constant 368 : index
      %swap3A_305 = tpu.vector_load %arg16[%swap3A_304] {strides = array<i32>} : memref<512xf32, #tpu.memory_space<vmem>>, vector<16xf32>,
      tpu.vector_store %arg16[%swap3A_304], %gather3A_303 {strides = array<i32>} : memref<512xf32, #tpu.memory_space<vmem>>, vector<16xf32>,
      %gather3A_306 = tpu.vector_load_idx %arg10[%get3A_299] : memref<16384xf32, #tpu.memory_space<vmem>>[vector<16xi32>], vector<16xf32>,
      %swap3A_307 = arith.constant 368 : index
      %swap3A_308 = tpu.vector_load %arg17[%swap3A_307] {strides = array<i32>} : memref<512xf32, #tpu.memory_space<vmem>>, vector<16xf32>,
      tpu.vector_store %arg17[%swap3A_307], %gather3A_306 {strides = array<i32>} : memref<512xf32, #tpu.memory_space<vmem>>, vector<16xf32>,
      %get3A_309 = arith.constant 384 : index
      %get3A_310 = tpu.vector_load %arg14[%get3A_309] {strides = array<i32>} : memref<512xi32, #tpu.memory_space<vmem>>, vector<16xi32>,
      %gather3A_311 = tpu.vector_load_idx %arg8[%get3A_310] : memref<16384xf32, #tpu.memory_space<vmem>>[vector<16xi32>], vector<16xf32>,
      %swap3A_312 = arith.constant 384 : index
      %swap3A_313 = tpu.vector_load %arg15[%swap3A_312] {strides = array<i32>} : memref<512xf32, #tpu.memory_space<vmem>>, vector<16xf32>,
      tpu.vector_store %arg15[%swap3A_312], %gather3A_311 {strides = array<i32>} : memref<512xf32, #tpu.memory_space<vmem>>, vector<16xf32>,
      %gather3A_314 = tpu.vector_load_idx %arg9[%get3A_310] : memref<16384xf32, #tpu.memory_space<vmem>>[vector<16xi32>], vector<16xf32>,
      %swap3A_315 = arith.constant 384 : index
      %swap3A_316 = tpu.vector_load %arg16[%swap3A_315] {strides = array<i32>} : memref<512xf32, #tpu.memory_space<vmem>>, vector<16xf32>,
      tpu.vector_store %arg16[%swap3A_315], %gather3A_314 {strides = array<i32>} : memref<512xf32, #tpu.memory_space<vmem>>, vector<16xf32>,
      %gather3A_317 = tpu.vector_load_idx %arg10[%get3A_310] : memref<16384xf32, #tpu.memory_space<vmem>>[vector<16xi32>], vector<16xf32>,
      %swap3A_318 = arith.constant 384 : index
      %swap3A_319 = tpu.vector_load %arg17[%swap3A_318] {strides = array<i32>} : memref<512xf32, #tpu.memory_space<vmem>>, vector<16xf32>,
      tpu.vector_store %arg17[%swap3A_318], %gather3A_317 {strides = array<i32>} : memref<512xf32, #tpu.memory_space<vmem>>, vector<16xf32>,
      %get3A_320 = arith.constant 400 : index
      %get3A_321 = tpu.vector_load %arg14[%get3A_320] {strides = array<i32>} : memref<512xi32, #tpu.memory_space<vmem>>, vector<16xi32>,
      %gather3A_322 = tpu.vector_load_idx %arg8[%get3A_321] : memref<16384xf32, #tpu.memory_space<vmem>>[vector<16xi32>], vector<16xf32>,
      %swap3A_323 = arith.constant 400 : index
      %swap3A_324 = tpu.vector_load %arg15[%swap3A_323] {strides = array<i32>} : memref<512xf32, #tpu.memory_space<vmem>>, vector<16xf32>,
      tpu.vector_store %arg15[%swap3A_323], %gather3A_322 {strides = array<i32>} : memref<512xf32, #tpu.memory_space<vmem>>, vector<16xf32>,
      %gather3A_325 = tpu.vector_load_idx %arg9[%get3A_321] : memref<16384xf32, #tpu.memory_space<vmem>>[vector<16xi32>], vector<16xf32>,
      %swap3A_326 = arith.constant 400 : index
      %swap3A_327 = tpu.vector_load %arg16[%swap3A_326] {strides = array<i32>} : memref<512xf32, #tpu.memory_space<vmem>>, vector<16xf32>,
      tpu.vector_store %arg16[%swap3A_326], %gather3A_325 {strides = array<i32>} : memref<512xf32, #tpu.memory_space<vmem>>, vector<16xf32>,
      %gather3A_328 = tpu.vector_load_idx %arg10[%get3A_321] : memref<16384xf32, #tpu.memory_space<vmem>>[vector<16xi32>], vector<16xf32>,
      %swap3A_329 = arith.constant 400 : index
      %swap3A_330 = tpu.vector_load %arg17[%swap3A_329] {strides = array<i32>} : memref<512xf32, #tpu.memory_space<vmem>>, vector<16xf32>,
      tpu.vector_store %arg17[%swap3A_329], %gather3A_328 {strides = array<i32>} : memref<512xf32, #tpu.memory_space<vmem>>, vector<16xf32>,
      %get3A_331 = arith.constant 416 : index
      %get3A_332 = tpu.vector_load %arg14[%get3A_331] {strides = array<i32>} : memref<512xi32, #tpu.memory_space<vmem>>, vector<16xi32>,
      %gather3A_333 = tpu.vector_load_idx %arg8[%get3A_332] : memref<16384xf32, #tpu.memory_space<vmem>>[vector<16xi32>], vector<16xf32>,
      %swap3A_334 = arith.constant 416 : index
      %swap3A_335 = tpu.vector_load %arg15[%swap3A_334] {strides = array<i32>} : memref<512xf32, #tpu.memory_space<vmem>>, vector<16xf32>,
      tpu.vector_store %arg15[%swap3A_334], %gather3A_333 {strides = array<i32>} : memref<512xf32, #tpu.memory_space<vmem>>, vector<16xf32>,
      %gather3A_336 = tpu.vector_load_idx %arg9[%get3A_332] : memref<16384xf32, #tpu.memory_space<vmem>>[vector<16xi32>], vector<16xf32>,
      %swap3A_337 = arith.constant 416 : index
      %swap3A_338 = tpu.vector_load %arg16[%swap3A_337] {strides = array<i32>} : memref<512xf32, #tpu.memory_space<vmem>>, vector<16xf32>,
      tpu.vector_store %arg16[%swap3A_337], %gather3A_336 {strides = array<i32>} : memref<512xf32, #tpu.memory_space<vmem>>, vector<16xf32>,
      %gather3A_339 = tpu.vector_load_idx %arg10[%get3A_332] : memref<16384xf32, #tpu.memory_space<vmem>>[vector<16xi32>], vector<16xf32>,
      %swap3A_340 = arith.constant 416 : index
      %swap3A_341 = tpu.vector_load %arg17[%swap3A_340] {strides = array<i32>} : memref<512xf32, #tpu.memory_space<vmem>>, vector<16xf32>,
      tpu.vector_store %arg17[%swap3A_340], %gather3A_339 {strides = array<i32>} : memref<512xf32, #tpu.memory_space<vmem>>, vector<16xf32>,
      %get3A_342 = arith.constant 432 : index
      %get3A_343 = tpu.vector_load %arg14[%get3A_342] {strides = array<i32>} : memref<512xi32, #tpu.memory_space<vmem>>, vector<16xi32>,
      %gather3A_344 = tpu.vector_load_idx %arg8[%get3A_343] : memref<16384xf32, #tpu.memory_space<vmem>>[vector<16xi32>], vector<16xf32>,
      %swap3A_345 = arith.constant 432 : index
      %swap3A_346 = tpu.vector_load %arg15[%swap3A_345] {strides = array<i32>} : memref<512xf32, #tpu.memory_space<vmem>>, vector<16xf32>,
      tpu.vector_store %arg15[%swap3A_345], %gather3A_344 {strides = array<i32>} : memref<512xf32, #tpu.memory_space<vmem>>, vector<16xf32>,
      %gather3A_347 = tpu.vector_load_idx %arg9[%get3A_343] : memref<16384xf32, #tpu.memory_space<vmem>>[vector<16xi32>], vector<16xf32>,
      %swap3A_348 = arith.constant 432 : index
      %swap3A_349 = tpu.vector_load %arg16[%swap3A_348] {strides = array<i32>} : memref<512xf32, #tpu.memory_space<vmem>>, vector<16xf32>,
      tpu.vector_store %arg16[%swap3A_348], %gather3A_347 {strides = array<i32>} : memref<512xf32, #tpu.memory_space<vmem>>, vector<16xf32>,
      %gather3A_350 = tpu.vector_load_idx %arg10[%get3A_343] : memref<16384xf32, #tpu.memory_space<vmem>>[vector<16xi32>], vector<16xf32>,
      %swap3A_351 = arith.constant 432 : index
      %swap3A_352 = tpu.vector_load %arg17[%swap3A_351] {strides = array<i32>} : memref<512xf32, #tpu.memory_space<vmem>>, vector<16xf32>,
      tpu.vector_store %arg17[%swap3A_351], %gather3A_350 {strides = array<i32>} : memref<512xf32, #tpu.memory_space<vmem>>, vector<16xf32>,
      %get3A_353 = arith.constant 448 : index
      %get3A_354 = tpu.vector_load %arg14[%get3A_353] {strides = array<i32>} : memref<512xi32, #tpu.memory_space<vmem>>, vector<16xi32>,
      %gather3A_355 = tpu.vector_load_idx %arg8[%get3A_354] : memref<16384xf32, #tpu.memory_space<vmem>>[vector<16xi32>], vector<16xf32>,
      %swap3A_356 = arith.constant 448 : index
      %swap3A_357 = tpu.vector_load %arg15[%swap3A_356] {strides = array<i32>} : memref<512xf32, #tpu.memory_space<vmem>>, vector<16xf32>,
      tpu.vector_store %arg15[%swap3A_356], %gather3A_355 {strides = array<i32>} : memref<512xf32, #tpu.memory_space<vmem>>, vector<16xf32>,
      %gather3A_358 = tpu.vector_load_idx %arg9[%get3A_354] : memref<16384xf32, #tpu.memory_space<vmem>>[vector<16xi32>], vector<16xf32>,
      %swap3A_359 = arith.constant 448 : index
      %swap3A_360 = tpu.vector_load %arg16[%swap3A_359] {strides = array<i32>} : memref<512xf32, #tpu.memory_space<vmem>>, vector<16xf32>,
      tpu.vector_store %arg16[%swap3A_359], %gather3A_358 {strides = array<i32>} : memref<512xf32, #tpu.memory_space<vmem>>, vector<16xf32>,
      %gather3A_361 = tpu.vector_load_idx %arg10[%get3A_354] : memref<16384xf32, #tpu.memory_space<vmem>>[vector<16xi32>], vector<16xf32>,
      %swap3A_362 = arith.constant 448 : index
      %swap3A_363 = tpu.vector_load %arg17[%swap3A_362] {strides = array<i32>} : memref<512xf32, #tpu.memory_space<vmem>>, vector<16xf32>,
      tpu.vector_store %arg17[%swap3A_362], %gather3A_361 {strides = array<i32>} : memref<512xf32, #tpu.memory_space<vmem>>, vector<16xf32>,
      %get3A_364 = arith.constant 464 : index
      %get3A_365 = tpu.vector_load %arg14[%get3A_364] {strides = array<i32>} : memref<512xi32, #tpu.memory_space<vmem>>, vector<16xi32>,
      %gather3A_366 = tpu.vector_load_idx %arg8[%get3A_365] : memref<16384xf32, #tpu.memory_space<vmem>>[vector<16xi32>], vector<16xf32>,
      %swap3A_367 = arith.constant 464 : index
      %swap3A_368 = tpu.vector_load %arg15[%swap3A_367] {strides = array<i32>} : memref<512xf32, #tpu.memory_space<vmem>>, vector<16xf32>,
      tpu.vector_store %arg15[%swap3A_367], %gather3A_366 {strides = array<i32>} : memref<512xf32, #tpu.memory_space<vmem>>, vector<16xf32>,
      %gather3A_369 = tpu.vector_load_idx %arg9[%get3A_365] : memref<16384xf32, #tpu.memory_space<vmem>>[vector<16xi32>], vector<16xf32>,
      %swap3A_370 = arith.constant 464 : index
      %swap3A_371 = tpu.vector_load %arg16[%swap3A_370] {strides = array<i32>} : memref<512xf32, #tpu.memory_space<vmem>>, vector<16xf32>,
      tpu.vector_store %arg16[%swap3A_370], %gather3A_369 {strides = array<i32>} : memref<512xf32, #tpu.memory_space<vmem>>, vector<16xf32>,
      %gather3A_372 = tpu.vector_load_idx %arg10[%get3A_365] : memref<16384xf32, #tpu.memory_space<vmem>>[vector<16xi32>], vector<16xf32>,
      %swap3A_373 = arith.constant 464 : index
      %swap3A_374 = tpu.vector_load %arg17[%swap3A_373] {strides = array<i32>} : memref<512xf32, #tpu.memory_space<vmem>>, vector<16xf32>,
      tpu.vector_store %arg17[%swap3A_373], %gather3A_372 {strides = array<i32>} : memref<512xf32, #tpu.memory_space<vmem>>, vector<16xf32>,
      %get3A_375 = arith.constant 480 : index
      %get3A_376 = tpu.vector_load %arg14[%get3A_375] {strides = array<i32>} : memref<512xi32, #tpu.memory_space<vmem>>, vector<16xi32>,
      %gather3A_377 = tpu.vector_load_idx %arg8[%get3A_376] : memref<16384xf32, #tpu.memory_space<vmem>>[vector<16xi32>], vector<16xf32>,
      %swap3A_378 = arith.constant 480 : index
      %swap3A_379 = tpu.vector_load %arg15[%swap3A_378] {strides = array<i32>} : memref<512xf32, #tpu.memory_space<vmem>>, vector<16xf32>,
      tpu.vector_store %arg15[%swap3A_378], %gather3A_377 {strides = array<i32>} : memref<512xf32, #tpu.memory_space<vmem>>, vector<16xf32>,
      %gather3A_380 = tpu.vector_load_idx %arg9[%get3A_376] : memref<16384xf32, #tpu.memory_space<vmem>>[vector<16xi32>], vector<16xf32>,
      %swap3A_381 = arith.constant 480 : index
      %swap3A_382 = tpu.vector_load %arg16[%swap3A_381] {strides = array<i32>} : memref<512xf32, #tpu.memory_space<vmem>>, vector<16xf32>,
      tpu.vector_store %arg16[%swap3A_381], %gather3A_380 {strides = array<i32>} : memref<512xf32, #tpu.memory_space<vmem>>, vector<16xf32>,
      %gather3A_383 = tpu.vector_load_idx %arg10[%get3A_376] : memref<16384xf32, #tpu.memory_space<vmem>>[vector<16xi32>], vector<16xf32>,
      %swap3A_384 = arith.constant 480 : index
      %swap3A_385 = tpu.vector_load %arg17[%swap3A_384] {strides = array<i32>} : memref<512xf32, #tpu.memory_space<vmem>>, vector<16xf32>,
      tpu.vector_store %arg17[%swap3A_384], %gather3A_383 {strides = array<i32>} : memref<512xf32, #tpu.memory_space<vmem>>, vector<16xf32>,
      %get3A_386 = arith.constant 496 : index
      %get3A_387 = tpu.vector_load %arg14[%get3A_386] {strides = array<i32>} : memref<512xi32, #tpu.memory_space<vmem>>, vector<16xi32>,
      %gather3A_388 = tpu.vector_load_idx %arg8[%get3A_387] : memref<16384xf32, #tpu.memory_space<vmem>>[vector<16xi32>], vector<16xf32>,
      %swap3A_389 = arith.constant 496 : index
      %swap3A_390 = tpu.vector_load %arg15[%swap3A_389] {strides = array<i32>} : memref<512xf32, #tpu.memory_space<vmem>>, vector<16xf32>,
      tpu.vector_store %arg15[%swap3A_389], %gather3A_388 {strides = array<i32>} : memref<512xf32, #tpu.memory_space<vmem>>, vector<16xf32>,
      %gather3A_391 = tpu.vector_load_idx %arg9[%get3A_387] : memref<16384xf32, #tpu.memory_space<vmem>>[vector<16xi32>], vector<16xf32>,
      %swap3A_392 = arith.constant 496 : index
      %swap3A_393 = tpu.vector_load %arg16[%swap3A_392] {strides = array<i32>} : memref<512xf32, #tpu.memory_space<vmem>>, vector<16xf32>,
      tpu.vector_store %arg16[%swap3A_392], %gather3A_391 {strides = array<i32>} : memref<512xf32, #tpu.memory_space<vmem>>, vector<16xf32>,
      %gather3A_394 = tpu.vector_load_idx %arg10[%get3A_387] : memref<16384xf32, #tpu.memory_space<vmem>>[vector<16xi32>], vector<16xf32>,
      %swap3A_395 = arith.constant 496 : index
      %swap3A_396 = tpu.vector_load %arg17[%swap3A_395] {strides = array<i32>} : memref<512xf32, #tpu.memory_space<vmem>>, vector<16xf32>,
      tpu.vector_store %arg17[%swap3A_395], %gather3A_394 {strides = array<i32>} : memref<512xf32, #tpu.memory_space<vmem>>, vector<16xf32>,
      "tpu.region"() ({
        %run_scoped3A = tpu.sem_alloc : memref<!tpu.dma_semaphore, #tpu.memory_space<semaphore_mem>>
        %dma_start3A = arith.constant 0 : i32
        %dma_start3A_397 = tpu.memref_slice %arg5[%add3A_30, %dma_start3A] : memref<4x512xf32, #tpu.memory_space<hbm>> -> memref<1x512xf32, #tpu.memory_space<hbm>>
        %dma_start3A_398 = tpu.memref_squeeze %dma_start3A_397 : memref<1x512xf32, #tpu.memory_space<hbm>> -> memref<512xf32, #tpu.memory_space<hbm>>
        %dma_start3A_399 = arith.constant 0 : i32
        %dma_start3A_400 = tpu.memref_slice %arg5[%add3A_30, %dma_start3A_399] : memref<4x512xf32, #tpu.memory_space<hbm>> -> memref<1x512xf32, #tpu.memory_space<hbm>>
        %dma_start3A_401 = tpu.memref_squeeze %dma_start3A_400 : memref<1x512xf32, #tpu.memory_space<hbm>> -> memref<512xf32, #tpu.memory_space<hbm>>
        tpu.enqueue_dma source(%arg15 : memref<512xf32, #tpu.memory_space<vmem>>) target(%dma_start3A_401 : memref<512xf32, #tpu.memory_space<hbm>>) target_semaphore(%run_scoped3A : memref<!tpu.dma_semaphore, #tpu.memory_space<semaphore_mem>>)
        %dma_wait3A = arith.constant 0 : i32
        %dma_wait3A_402 = tpu.memref_slice %arg5[%add3A_30, %dma_wait3A] : memref<4x512xf32, #tpu.memory_space<hbm>> -> memref<1x512xf32, #tpu.memory_space<hbm>>
        %dma_wait3A_403 = tpu.memref_squeeze %dma_wait3A_402 : memref<1x512xf32, #tpu.memory_space<hbm>> -> memref<512xf32, #tpu.memory_space<hbm>>
        %dma_wait3A_404 = arith.constant 0 : i32
        %dma_wait3A_405 = tpu.memref_slice %arg5[%add3A_30, %dma_wait3A_404] : memref<4x512xf32, #tpu.memory_space<hbm>> -> memref<1x512xf32, #tpu.memory_space<hbm>>
        %dma_wait3A_406 = tpu.memref_squeeze %dma_wait3A_405 : memref<1x512xf32, #tpu.memory_space<hbm>> -> memref<512xf32, #tpu.memory_space<hbm>>
        tpu.wait_dma2 semaphore(%run_scoped3A : memref<!tpu.dma_semaphore, #tpu.memory_space<semaphore_mem>>) src(%arg15 : memref<512xf32, #tpu.memory_space<vmem>>) dst(%dma_wait3A_406 : memref<512xf32, #tpu.memory_space<hbm>>)
        tpu.yield
      }) : () -> ()
      "tpu.region"() ({
        %run_scoped3A = tpu.sem_alloc : memref<!tpu.dma_semaphore, #tpu.memory_space<semaphore_mem>>
        %dma_start3A = arith.constant 0 : i32
        %dma_start3A_397 = tpu.memref_slice %arg6[%add3A_30, %dma_start3A] : memref<4x512xf32, #tpu.memory_space<hbm>> -> memref<1x512xf32, #tpu.memory_space<hbm>>
        %dma_start3A_398 = tpu.memref_squeeze %dma_start3A_397 : memref<1x512xf32, #tpu.memory_space<hbm>> -> memref<512xf32, #tpu.memory_space<hbm>>
        %dma_start3A_399 = arith.constant 0 : i32
        %dma_start3A_400 = tpu.memref_slice %arg6[%add3A_30, %dma_start3A_399] : memref<4x512xf32, #tpu.memory_space<hbm>> -> memref<1x512xf32, #tpu.memory_space<hbm>>
        %dma_start3A_401 = tpu.memref_squeeze %dma_start3A_400 : memref<1x512xf32, #tpu.memory_space<hbm>> -> memref<512xf32, #tpu.memory_space<hbm>>
        tpu.enqueue_dma source(%arg16 : memref<512xf32, #tpu.memory_space<vmem>>) target(%dma_start3A_401 : memref<512xf32, #tpu.memory_space<hbm>>) target_semaphore(%run_scoped3A : memref<!tpu.dma_semaphore, #tpu.memory_space<semaphore_mem>>)
        %dma_wait3A = arith.constant 0 : i32
        %dma_wait3A_402 = tpu.memref_slice %arg6[%add3A_30, %dma_wait3A] : memref<4x512xf32, #tpu.memory_space<hbm>> -> memref<1x512xf32, #tpu.memory_space<hbm>>
        %dma_wait3A_403 = tpu.memref_squeeze %dma_wait3A_402 : memref<1x512xf32, #tpu.memory_space<hbm>> -> memref<512xf32, #tpu.memory_space<hbm>>
        %dma_wait3A_404 = arith.constant 0 : i32
        %dma_wait3A_405 = tpu.memref_slice %arg6[%add3A_30, %dma_wait3A_404] : memref<4x512xf32, #tpu.memory_space<hbm>> -> memref<1x512xf32, #tpu.memory_space<hbm>>
        %dma_wait3A_406 = tpu.memref_squeeze %dma_wait3A_405 : memref<1x512xf32, #tpu.memory_space<hbm>> -> memref<512xf32, #tpu.memory_space<hbm>>
        tpu.wait_dma2 semaphore(%run_scoped3A : memref<!tpu.dma_semaphore, #tpu.memory_space<semaphore_mem>>) src(%arg16 : memref<512xf32, #tpu.memory_space<vmem>>) dst(%dma_wait3A_406 : memref<512xf32, #tpu.memory_space<hbm>>)
        tpu.yield
      }) : () -> ()
      "tpu.region"() ({
        %run_scoped3A = tpu.sem_alloc : memref<!tpu.dma_semaphore, #tpu.memory_space<semaphore_mem>>
        %dma_start3A = arith.constant 0 : i32
        %dma_start3A_397 = tpu.memref_slice %arg7[%add3A_30, %dma_start3A] : memref<4x512xf32, #tpu.memory_space<hbm>> -> memref<1x512xf32, #tpu.memory_space<hbm>>
        %dma_start3A_398 = tpu.memref_squeeze %dma_start3A_397 : memref<1x512xf32, #tpu.memory_space<hbm>> -> memref<512xf32, #tpu.memory_space<hbm>>
        %dma_start3A_399 = arith.constant 0 : i32
        %dma_start3A_400 = tpu.memref_slice %arg7[%add3A_30, %dma_start3A_399] : memref<4x512xf32, #tpu.memory_space<hbm>> -> memref<1x512xf32, #tpu.memory_space<hbm>>
        %dma_start3A_401 = tpu.memref_squeeze %dma_start3A_400 : memref<1x512xf32, #tpu.memory_space<hbm>> -> memref<512xf32, #tpu.memory_space<hbm>>
        tpu.enqueue_dma source(%arg17 : memref<512xf32, #tpu.memory_space<vmem>>) target(%dma_start3A_401 : memref<512xf32, #tpu.memory_space<hbm>>) target_semaphore(%run_scoped3A : memref<!tpu.dma_semaphore, #tpu.memory_space<semaphore_mem>>)
        %dma_wait3A = arith.constant 0 : i32
        %dma_wait3A_402 = tpu.memref_slice %arg7[%add3A_30, %dma_wait3A] : memref<4x512xf32, #tpu.memory_space<hbm>> -> memref<1x512xf32, #tpu.memory_space<hbm>>
        %dma_wait3A_403 = tpu.memref_squeeze %dma_wait3A_402 : memref<1x512xf32, #tpu.memory_space<hbm>> -> memref<512xf32, #tpu.memory_space<hbm>>
        %dma_wait3A_404 = arith.constant 0 : i32
        %dma_wait3A_405 = tpu.memref_slice %arg7[%add3A_30, %dma_wait3A_404] : memref<4x512xf32, #tpu.memory_space<hbm>> -> memref<1x512xf32, #tpu.memory_space<hbm>>
        %dma_wait3A_406 = tpu.memref_squeeze %dma_wait3A_405 : memref<1x512xf32, #tpu.memory_space<hbm>> -> memref<512xf32, #tpu.memory_space<hbm>>
        tpu.wait_dma2 semaphore(%run_scoped3A : memref<!tpu.dma_semaphore, #tpu.memory_space<semaphore_mem>>) src(%arg17 : memref<512xf32, #tpu.memory_space<vmem>>) dst(%dma_wait3A_406 : memref<512xf32, #tpu.memory_space<hbm>>)
        tpu.yield
      }) : () -> ()
    } else {
    }
    return
  }
}

</mosaic_0001>

<sc_bundles>
// kernel: _fps_sc.3.cloned.1.call-start
scs
__scs_entry_jumppad:
0x0: {  	(pc) =	sbr.rel $0x88, $3  }
0x1: {  	(tag) =	ssettag $0x0;
	lr =	simm.s32 $0x1  }
0x2: {  	[smem:$0x3F9E] =	sst lr;
	_ =	strace $0xD0000000  }
0x3: {  	_ = 	snop  }
0x4: {  	_ = 	snop  }
0x5: {  	_ = 	snop  }
0x6: {  	_ = 	snop  }
0x7: {  	_ = 	snop  }
__scs_overlays_trampoline_lowered:
0x8: {  	[smem:$0x3FAD] =	sst s0  }
0x9: {  	[smem:$0x3FAE] =	sst s1  }
0xa: {  	[smem:$0x3FAF] =	sst s2  }
0xb: {  	[smem:$0x3FB0] =	sst s3  }
0xc: {  	[smem:$0x3FB1] =	sst s4  }
0xd: {  	[smem:$0x3FB2] =	sst s5  }
0xe: {  	[smem:$0x3FB3] =	sst s6  }
0xf: {  	[smem:$0x3FB4] =	sst s7  }
0x10: {  	[smem:$0x3FB5] =	sst s8  }
0x11: {  	[smem:$0x3FB6] =	sst s9;
	s0 =	simm.s32 @!p0 $0x0  }
0x12: {  	s1 =	sld [smem:$0x3F9C];
	s0 =	simm.s32 @p0 $0x1  }
0x13: {  	[smem:$0x3FB7] =	sst s0;
	s0 =	simm.s32 @!p1 $0x0  }
0x14: {  	s2 =	sld [smem:$0x3F9B];
	s0 =	simm.s32 @p1 $0x1  }
0x15: {  	[smem:$0x3FB8] =	sst s0;
	s0 =	simm.s32 @!p2 $0x0  }
0x16: {  	s3 =	sld [smem:$0x3FDB];
	s0 =	simm.s32 @p2 $0x1  }
0x17: {  	s4 =	simm.s32 $0x1BF5;
	[smem:$0x3FBA] =	sst s0  }
0x18: {  	s0 =	sld [smem:$0x3F9D];
	_ =	swait.ge [sflag:s4], $0x0  }
0x19: {  	s7 =	sld [smem:$0x3F9E]  }
0x1a: {  	s8 =	sadd.s32 $0xFFFFE003, lr  }
0x1b: {  	s9 =	sadd.s32 $0xFFFFFEF7, lr;
	s5 =	simm.s32 $0xFFFFFFFF;
	p2 =	slt.u32 s8, $0xFFFFF086  }
0x1c: {  	p1 =	slt.u32 s9, $0xF7A;
	s5 =	simm.s32 @!p2 $0x0  }
0x1d: {  	s5 =	simm.s32 @p1 $0x1;
	p0 =	seq.s32 s7, s2  }
0x1e: {  	s7 =	smul.u32 @!p0 $0xF7A, s2;
	p2 =	seq.s32 @!p0 s5, $0x0  }
0x1f: {  	s9 =	smul.u32 $0xF7A, s1;
	s8 =	simm.s32 @!p0 $0x1BF5;
	p2 =	por !p2, p0  }
0x20: {  	[sflag:s8] =	ssyncset.s32 @!p0 $0xFFFFF086;
	s6 =	sadd.s32 @!p0 s3, s7;
	s7 =	simm.s32 @!p0 $0x108  }
0x21: {  	s3 =	sadd.s32 s3, s9;
	s6 =	sadd.s32 @!p0 $0x88, s6;
	s7 =	simm.s32 @p2 $0x1082  }
0x22: {  	[simem:s7], [sflag:s8] =	dma.local @!p0 [hbm:s6], $0xF7A  }
0x23: {  	s9 =	sor.u32 $0xD0000000, s2;
	s6 =	simm.s32 $0x108;
	_ =	swait.ge @!p0 [sflag:s8], $0x0  }
0x24: {  	s3 =	sadd.s32 $0x88, s3;
	s6 =	simm.s32 @!p1 $0x1082;
	[sflag:s4] =	ssyncset.s32 $0xFFFFF086  }
0x25: {  	[simem:s6], [sflag:s4] =	dma.local [hbm:s3], $0xF7A  }
0x26: {  	[smem:$0x3F9E] =	sst s1;
	(tag) =	ssettag s2;
	_ =	strace s9  }
0x27: {  	s1 =	sld [smem:$0x3FAE]  }
0x28: {  	s2 =	sld [smem:$0x3FAF]  }
0x29: {  	s4 =	sld [smem:$0x3FB1]  }
0x2a: {  	p0 =	seq.s32 s5, $0x0;
	s5 =	sld [smem:$0x3FB2]  }
0x2b: {  	s6 =	sld [smem:$0x3FB3]  }
0x2c: {  	s7 =	sld [smem:$0x3FB4]  }
0x2d: {  	s3 =	simm.s32 $0x108;
	s8 =	sld [smem:$0x3FB5]  }
0x2e: {  	s3 =	simm.s32 @!p0 $0x1082;
	s9 =	sld [smem:$0x3FB6]  }
0x2f: {  	lr =	sadd.s32 s0, s3;
	s0 =	sld [smem:$0x3FAD]  }
0x30: {  	s3 =	sld [smem:$0x3FB0]  }
0x31: {  	[smem:$0x3FB9] =	sst s10  }
0x32: {  	s10 =	sld [smem:$0x3FB7];
	_ =	sdelay $0x3  }
0x33: {  	p0 =	seq.s32 s10, $0x1;
	s10 =	sld [smem:$0x3FB9];
	_ =	sdelay $0x3  }
0x34: {  	[smem:$0x3FB9] =	sst s10  }
0x35: {  	s10 =	sld [smem:$0x3FB8];
	_ =	sdelay $0x3  }
0x36: {  	p1 =	seq.s32 s10, $0x1;
	s10 =	sld [smem:$0x3FB9];
	_ =	sdelay $0x3  }
0x37: {  	[smem:$0x3FB9] =	sst s10  }
0x38: {  	s10 =	sld [smem:$0x3FBA]  }
0x39: {  	_ = 	snop;
	(pc) =	sbr.ind lr, $3  }
0x3a: {  	_ = 	snop  }
0x3b: {  	_ = 	snop  }
0x3c: {  	p2 =	seq.s32 s10, $0x1;
	s10 =	sld [smem:$0x3FB9]  }
0x3d: {  	_ =	shalt  }
0x3e: {  	_ =	shalt  }
0x3f: {  	_ =	shalt  }
0x40: {  	_ =	shalt  }
0x41: {  	_ =	shalt  }
0x42: {  	_ =	shalt  }
0x43: {  	_ =	shalt  }
0x44: {  	_ =	shalt  }
0x45: {  	_ =	shalt  }
0x46: {  	_ =	shalt  }
0x47: {  	_ =	shalt  }
0x48: {  	_ =	shalt  }
0x49: {  	_ =	shalt  }
0x4a: {  	_ =	shalt  }
0x4b: {  	_ =	shalt  }
0x4c: {  	_ =	shalt  }
0x4d: {  	_ =	shalt  }
0x4e: {  	_ =	shalt  }
0x4f: {  	_ =	shalt  }
0x50: {  	_ =	shalt  }
0x51: {  	_ =	shalt  }
0x52: {  	_ =	shalt  }
0x53: {  	_ =	shalt  }
0x54: {  	_ =	shalt  }
0x55: {  	_ =	shalt  }
0x56: {  	_ =	shalt  }
0x57: {  	_ =	shalt  }
0x58: {  	_ =	shalt  }
0x59: {  	_ =	shalt  }
0x5a: {  	_ =	shalt  }
0x5b: {  	_ =	shalt  }
0x5c: {  	_ =	shalt  }
0x5d: {  	_ =	shalt  }
0x5e: {  	_ =	shalt  }
0x5f: {  	_ =	shalt  }
0x60: {  	_ =	shalt  }
0x61: {  	_ =	shalt  }
0x62: {  	_ =	shalt  }
0x63: {  	_ =	shalt  }
0x64: {  	_ =	shalt  }
0x65: {  	_ =	shalt  }
0x66: {  	_ =	shalt  }
0x67: {  	_ =	shalt  }
0x68: {  	_ =	shalt  }
0x69: {  	_ =	shalt  }
0x6a: {  	_ =	shalt  }
0x6b: {  	_ =	shalt  }
0x6c: {  	_ =	shalt  }
0x6d: {  	_ =	shalt  }
0x6e: {  	_ =	shalt  }
0x6f: {  	_ =	shalt  }
0x70: {  	_ =	shalt  }
0x71: {  	_ =	shalt  }
0x72: {  	_ =	shalt  }
0x73: {  	_ =	shalt  }
0x74: {  	_ =	shalt  }
0x75: {  	_ =	shalt  }
0x76: {  	_ =	shalt  }
0x77: {  	_ =	shalt  }
0x78: {  	_ =	shalt  }
0x79: {  	_ =	shalt  }
0x7a: {  	_ =	shalt  }
0x7b: {  	_ =	shalt  }
0x7c: {  	_ =	shalt  }
0x7d: {  	_ =	shalt  }
0x7e: {  	_ =	shalt  }
0x7f: {  	_ =	shalt  }
0x80: {  	_ =	shalt  }
0x81: {  	_ =	shalt  }
0x82: {  	_ =	shalt  }
0x83: {  	_ =	shalt  }
0x84: {  	_ =	shalt  }
0x85: {  	_ =	shalt  }
0x86: {  	_ =	shalt  }
0x87: {  	_ =	shalt  }
.Lfunc_end0:
.L_simem_size_0:
called_computation_lowered:
.L_overlay_start_0:
0x88: {  	s2 =	sld [smem:$0x3FD9]  }
0x89: {  	s3 =	sld [smem:$0x3FFE];
	_ =	sdelay $0x1  }
0x8a: {  	s1 =	srdreg.scid  }
0x8b: {  	s0 =	sand.u32 $0x1, s1  }
0x8c: {  	s15 =	sshll.u32 s0, $0xA;
	s2 =	sadd.s32 s3, s2  }
0x8d: {  	s2 =	sadd.s32 s2, s15  }
0x8e: {  	[smem:$0x3FC5] =	sst s2  }
0x8f: {  	_ = 	snop  }
0x90: {  	s2 =	sld [smem:$0x3FD0]  }
0x91: {  	s16 =	sld [smem:$0x3FC9]  }
0x92: {  	s4 =	sld [smem:$0x3FC8]  }
0x93: {  	s6 =	simm.s32 $0xA;
	s7 =	simm.s32 $0x10;
	s5 =	sld [smem:$0x3FC7]  }
0x94: {  	[smem:s7], [sflag:s6] =	dma.local [hbm:s2], $0x1  }
0x95: {  	_ =	swait.eq [sflag:s6], $0x1  }
0x96: {  	s17 =	sld [smem:$0x10];
	[sflag:s6] =	ssyncset.done $0x0  }
0x97: {  	s18 =	sld [smem:$0x11];
	[sflag:s6] =	ssyncadd.s32 $0xFFFFFFFF  }
0x98: {  	s19 =	sld [smem:$0x12];
	(tm) =	ssettm $0x1  }
0x99: {  	s8 =	sld [smem:$0x3FFB];
	_ =	sdelay $0x3  }
0x9a: {  	_ =	strace s8  }
0x9b: {  	s8 =	sld [smem:$0x3FFC];
	_ =	sdelay $0x3  }
0x9c: {  	_ =	strace s8  }
0x9d: {  	s8 =	sld [smem:$0x3FFD];
	_ =	sdelay $0x3  }
0x9e: {  	_ =	strace s8  }
0x9f: {  	_ =	strace $0x8FFFFFFF  }
0xa0: {  	s20 =	sld [smem:$0x3FDB];
	_ =	sdelay $0x1  }
0xa1: {  	s9 =	simm.s32 $_scs_section_size  }
0xa2: {  	s10 =	simm.s32 $_size__tile_overlayer_lowered;
	s11 =	simm.s32 $_tile_overlayer_lowered  }
0xa3: {  	s23 =	simm.s32 $0x1BFF;
	s22 =	sshll.u32 s11, $0x1;
	s8 =	sadd.s32 s9, s20  }
0xa4: {  	s12 =	simm.s32 $0x0;
	s21 =	sshll.u32 s10, $0x1;
	s10 =	sadd.s32 s22, s8  }
0xa5: {  	[timem:s12], [sflag:s23] =	dma.local [hbm:s10], s21  }
0xa6: {  	_ =	swait.ge [sflag:s23], s21  }
0xa7: {  	s9 =	ssub.s32 $0x0, s21;
	[sflag:s23] =	ssyncset.done $0x0  }
0xa8: {  	[sflag:s23] =	ssyncadd.s32 s9;
	_ =	sdelay $0x1  }
0xa9: {  	s24 =	simm.s32 $0x1B8B  }
0xaa: {  	_ =	swait.ge [sflag:s24], $0x1  }
0xab: {  	[sflag:s24] =	ssyncset.done $0x0  }
0xac: {  	s25 =	simm.s32 $0x1B8E;
	[sflag:s24] =	ssyncadd.s32 $0xFFFFFFFF  }
0xad: {  	s26 =	simm.s32 $execute0_lowered;
	[smem:$0x3FD2] =	sst s25  }
0xae: {  	s9 =	sshll.u32 s26, $0x1;
	_ =	strace $0x80000046;
	[dreg:$0x1] =	wrdreg $0xFFFFFFFF  }
0xaf: {  	s28 =	simm.s32 $_size_execute0_lowered;
	s8 =	sadd.s32 s8, s9;
	[dreg:$0x0] =	wrdreg $0x0  }
0xb0: {  	s9 =	sshll.u32 s28, $0x1;
	[dreg:$0x2] =	wrdreg s8  }
0xb1: {  	[dreg:$0x3] =	wrdreg s9  }
0xb2: {  	[dreg:$0x4] =	wrdreg $0xC0  }
0xb3: {  	_ =	task [dreg:s12], $0x5FFFF  }
0xb4: {  	[dreg:$0x1] =	wrdreg $0xFFFFFFFF  }
0xb5: {  	[dreg:$0x0] =	wrdreg $0x60  }
0xb6: {  	[dreg:$0x2] =	wrdreg s16  }
0xb7: {  	[dreg:$0x3] =	wrdreg s4  }
0xb8: {  	[dreg:$0x4] =	wrdreg s5  }
0xb9: {  	[dreg:$0x5] =	wrdreg s17  }
0xba: {  	[dreg:$0x6] =	wrdreg s18  }
0xbb: {  	[dreg:$0x7] =	wrdreg s19  }
0xbc: {  	[dreg:$0x8] =	wrdreg $0xD1800  }
0xbd: {  	[dreg:$0x9] =	wrdreg $0x9  }
0xbe: {  	_ =	task.clear_ibuf [dreg:s12], $0xAFFFF;
	_ =	strace $0x90000046  }
0xbf: {  	s29 =	simm.s32 $0x9;
	_ =	strace $0x80000048  }
0xc0: {  	_ =	swait.ge [sflag:s29], $0x1  }
0xc1: {  	[sflag:s29] =	ssyncadd.s32 $0xFFFFFFFF  }
0xc2: {  	_ =	strace $0x90000048  }
0xc3: {  	_ =	sfence  }
0xc4: {  	s30 =	sld [smem:$0x0];
	_ =	sdelay $0x2  }
0xc5: {  	s31 =	sshll.u32 s1, $0xD;
	s1 =	sshrl.u32 s1, $0x2  }
0xc6: {  	s3 =	sand.u32 $0x4000, s31;
	s1 =	sadd.s32 s1, s30  }
0xc7: {  	s0 =	sor.u32 s3, s0;
	s1 =	sshll.u32 s1, $0x11  }
0xc8: {  	s0 =	sor.u32 s1, s0  }
0xc9: {  	s0 =	sadd.s32 $0x8F2B, s0  }
0xca: {  	[sflag:s0] =	ssyncadd.remote.s32 $0x1  }
0xcb: {  	_ =	sfence.sel $0xFFFF  }
0xcc: {  	[dreg:$0x0] =	wrdreg $0xFFFFFFFF;
	(pc) =	sbr.abs _section_cstart, $3  }
0xcd: {  	[dreg:$0x1] =	wrdreg $0xFFFFFFFF  }
0xce: {  	_ =	task.clear_ibuf [dreg:s12], $0x2FFFF;
	_ =	strace $0x9FFFFFFF  }
0xcf: {  	(tm) =	ssettm $0x7FFFFFFF  }
tec
execute0_lowered:
.L_overlay_start_1:
0x0: {  	(tag) =	ssettag $0x1  }
0x1: {  	s0 =	rddreg [dreg:$0x0]  }
0x2: {  	s1 =	rddreg [dreg:$0x1]  }
0x3: {  	s2 =	rddreg [dreg:$0x2]  }
0x4: {  	s3 =	rddreg [dreg:$0x3]  }
0x5: {  	s4 =	rddreg [dreg:$0x4]  }
0x6: {  	s6 =	rddreg [dreg:$0x5];
	s5 =	srdreg.scid  }
0x7: {  	s7 =	simm.s32 $0x0;
	s9 =	stileid.u32;
	s5 =	sand.u32 $0x1, s5  }
0x8: {  	[smem:$0x7FF] =	sst s7;
	s11 =	sshrl.u32 s9, $0x3;
	s9 =	sand.u32 $0x7, s9  }
0x9: {  	s21 =	ssub.s32 $0x2, s5;
	_ =	strace $0x80000047;
	s10 =	sshll.u32 s5, $0x5  }
0xa: {  	[dreg:$0x8] =	wrdreg s11;
	s11 =	sshll.u32 s11, $0x4;
	s5 =	sshll.u32 s9, $0xB  }
0xb: {  	s22 =	sor.u32 s10, s11;
	s31 =	sor.u32 $0x20, s5  }
0xc: {  	s0 =	sadd.s32 s0, s22;
	[dreg:$0x10] =	wrdreg s31  }
0xd: {  	s23 =	sadd.s32 s1, s22;
	[dreg:$0x9] =	wrdreg s0  }
0xe: {  	s25 =	sshll.u32 s9, $0x7;
	s24 =	sadd.s32 s2, s22;
	[dreg:$0xa] =	wrdreg s23  }
0xf: {  	s8 =	sshrl.u32 s21, $0x1;
	s26 =	sadd.s32 s3, s22;
	[dreg:$0xb] =	wrdreg s24  }
.Ltmp0:
0x10: {  	s28 =	sadd.s32 s4, s22;
	[dreg:$0xc] =	wrdreg s26;
	(pc) =	sbr.rel .LBB2_1-.Ltmp0, $4  }
0x11: {  	s7 =	ssub.s32 s21, s8;
	s29 =	sadd.s32 s6, s22;
	[dreg:$0xd] =	wrdreg s28  }
0x12: {  	p0 =	sne.s32 s9, $0x0;
	[dreg:$0xe] =	wrdreg s29;
	s30 =	smax.u32 s7, $0x1  }
0x13: {  	v0 =	vlaneseq.u32;
	s14 =	sor.u32 $0x4020, s5;
	s0 =	sshrl.u32 s25, $0x2;
	[dreg:$0xf] =	wrdreg s30  }
0x14: {  	v2 =	vimm.f32 $1.000000000e+10;
	v3 =	vor.u32 $0x80000000, v0;
	s15 =	sor.u32 $0x8020, s5;
	v1 =	vmov s5;
	s6 =	simm.s32 $0x0;
	[dreg:$0x11] =	wrdreg s0  }
.LBB2_9:
0x15: {  	s6 =	sadd.s32 $0x1, s6;
	s0 =	rddreg [dreg:$0xf]  }
0x16: {  	p1 =	sne.s32 s6, s0  }
.Ltmp1:
0x17: {  	_ = 	snop;
	(pc) =	sbr.rel @!p1 .LBB2_10-.Ltmp1, $1  }
0x18: {  	_ =	sdelay $0x3  }
.LBB2_1:
0x19: {  	[dreg:$0x12] =	wrdreg s6  }
0x1a: {  	s0 =	simm.s32 $0x0;
	s1 =	rddreg [dreg:$0x9]  }
0x1b: {  	s2 =	simm.s32 $0x80;
	s3 =	simm.s32 $0x200;
	s28 =	simm.s32 $0x1  }
0x1c: {  	[tilespmem:s0], [sflag:$0x1] =	stream.strided.gather [hbm4b:s1+s2], $0x4000, s3, s2, $0x38;
	[tilespmem:$0xD1C0] =	vst v63  }
0x1d: {  	_ =	swait.ge [sflag:s28], $0x4000  }
0x1e: {  	[sflag:s28] =	ssyncset.done $0x0  }
0x1f: {  	s4 =	simm.s32 $0x4000;
	s29 =	rddreg [dreg:$0xa];
	[sflag:s28] =	ssyncadd.s32 $0xFFFFC000  }
0x20: {  	[tilespmem:s4], [sflag:$0x1] =	stream.strided.gather [hbm4b:s29+s2], $0x4000, s3, s2, $0x38;
	[tilespmem:$0xD1C0] =	vst v63  }
0x21: {  	_ =	swait.ge [sflag:s28], $0x4000  }
0x22: {  	[sflag:s28] =	ssyncset.done $0x0  }
0x23: {  	s31 =	simm.s32 $0x8000;
	s30 =	rddreg [dreg:$0xb];
	[sflag:s28] =	ssyncadd.s32 $0xFFFFC000  }
0x24: {  	[tilespmem:s31], [sflag:$0x1] =	stream.strided.gather [hbm4b:s30+s2], $0x4000, s3, s2, $0x38;
	[tilespmem:$0xD1C0] =	vst v63  }
0x25: {  	_ =	swait.ge [sflag:s28], $0x4000  }
0x26: {  	[sflag:s28] =	ssyncset.done $0x0  }
0x27: {  	s0 =	simm.s32 $0x40;
	s1 =	simm.s32 $0x0;
	[sflag:s28] =	ssyncadd.s32 $0xFFFFC000  }
.LBB2_2:
0x28: {  	p1 =	sne.s32 s0, $0x1FC0;
	[tilespmem:s1+$0xC000] =	vst v2;
	v4 =	vimm.s32 $0x0;
	s1 =	smov.u32 s0;
	s0 =	sadd.s32 $0x40, s0  }
.Ltmp2:
0x29: {  	(pc) =	sbr.rel @p1 .LBB2_2-.Ltmp2, $2  }
0x2a: {  	_ =	sdelay $0x2  }
0x2b: {  	s1 =	sshra.s32 s1, $0x2  }
0x2c: {  	[tilespmem:s1+$0xC000] =	vst v2;
	v8 =	vimm.s32 $0x0;
	s30 =	simm.s32 $0x0  }
.LBB2_4:
0x2d: {  	s0 =	sand.u32 $0x1F0, s30  }
0x2e: {  	v9 =	vld [tilespmem:s0+$0xC980];
	_ =	sdelay $0x1  }
0x2f: {  	s1 =	sand.u32 $0xF, s30;
	s10 =	simm.s32 $0x0  }
0x30: {  	s21 =	simm.s32 $0x4000;
	v6 =	vld.idx.msk [tilespmem:v8+s10+$0x0], $0xffff;
	v5 =	vmov s1  }
0x31: {  	s22 =	simm.s32 $0x8000;
	v7 =	vld.idx.msk [tilespmem:v8+s21+$0x0], $0xffff;
	vm0 =	veq.s32 v5, v0  }
0x32: {  	v5 =	vld.idx.msk [tilespmem:v8+s22+$0x0], $0xffff;
	v8 =	vsel vm0, v8, v9  }
0x33: {  	s13 =	rddreg [dreg:$0x10];
	[tilespmem:s0+$0xC980] =	vst v8  }
0x34: {  	v8 =	vld [tilespmem:s13+$0xFFFFFFE0]  }
0x35: {  	v9 =	vld [tilespmem:s14+$0xFFFFFFE0]  }
0x36: {  	v10 =	vld [tilespmem:s15+$0xFFFFFFE0]  }
0x37: {  	v11 =	vld [tilespmem:s14+$0x20]  }
0x38: {  	v12 =	vld [tilespmem:s13+$0x20];
	_ =	sdelay $0x1  }
0x39: {  	v13 =	vld [tilespmem:s15+$0x20];
	v8 =	vsub.f32 v8, v6;
	v9 =	vsub.f32 v9, v7;
	_ =	sdelay $0x1  }
0x3a: {  	s16 =	simm.s32 $0xC020;
	v10 =	vsub.f32 v10, v5;
	v8 =	vmul.f32 v8, v8;
	v9 =	vmul.f32 v9, v9  }
0x3b: {  	v14 =	vld [tilespmem:s16+$0xFFFFFFE0];
	v11 =	vsub.f32 v11, v7;
	v12 =	vsub.f32 v12, v6  }
0x3c: {  	v10 =	vmul.f32 v10, v10;
	v8 =	vadd.f32 v9, v8  }
0x3d: {  	v12 =	vmul.f32 v12, v12;
	v11 =	vmul.f32 v11, v11;
	v9 =	vsub.f32 v13, v5  }
0x3e: {  	v13 =	vld [tilespmem:s16+$0x20];
	v8 =	vadd.f32 v10, v8  }
0x3f: {  	v10 =	vadd.f32 v11, v12;
	v9 =	vmul.f32 v9, v9  }
0x40: {  	s3 =	sadd.s32 $0x80, s15;
	v16 =	vld [tilespmem:s16+$0xFFFFFFF0];
	v8 =	vmin.f32 v14, v8  }
0x41: {  	v17 =	vld [tilespmem:s3+$0xFFFFFFE0];
	v9 =	vadd.f32 v9, v10;
	[tilespmem:s16+$0xFFFFFFE0] =	vst v8  }
0x42: {  	v10 =	vld [tilespmem:s13+$0xFFFFFFF0]  }
0x43: {  	s6 =	sadd.s32 $0x40, s5;
	v9 =	vmin.f32 v13, v9;
	v11 =	vld [tilespmem:s14+$0xFFFFFFF0]  }
0x44: {  	s23 =	sor.u32 $0x50, s6;
	v12 =	vld [tilespmem:s15+$0xFFFFFFF0];
	[tilespmem:s16+$0x20] =	vst v9  }
0x45: {  	v13 =	vld [tilespmem:s23+$0x0]  }
0x46: {  	v14 =	vld [tilespmem:s23+$0x4000]  }
0x47: {  	s17 =	sadd.s32 $0x80, s13;
	v15 =	vld [tilespmem:s23+$0x8000]  }
0x48: {  	s1 =	sadd.s32 $0x80, s14;
	v18 =	vld [tilespmem:s17+$0xFFFFFFE0];
	v10 =	vsub.f32 v10, v6  }
0x49: {  	v19 =	vld [tilespmem:s1+$0xFFFFFFE0];
	v11 =	vsub.f32 v11, v7  }
0x4a: {  	v20 =	vld [tilespmem:s1+$0x20];
	v12 =	vsub.f32 v12, v5;
	v10 =	vmul.f32 v10, v10  }
0x4b: {  	s31 =	simm.s32 $0xC0A0;
	v21 =	vld [tilespmem:s17+$0x20];
	v11 =	vmul.f32 v11, v11;
	v13 =	vsub.f32 v13, v6;
	v14 =	vsub.f32 v14, v7  }
0x4c: {  	s7 =	simm.s32 $0x40;
	s0 =	simm.s32 $0xC120;
	v27 =	vld [tilespmem:s31+$0xFFFFFFF0];
	v12 =	vmul.f32 v12, v12;
	v15 =	vsub.f32 v15, v5  }
0x4d: {  	s24 =	sor.u32 $0x50, s7;
	v28 =	vld [tilespmem:s0+$0xFFFFFFE0];
	v10 =	vadd.f32 v11, v10;
	v13 =	vmul.f32 v13, v13;
	v14 =	vmul.f32 v14, v14  }
0x4e: {  	s28 =	simm.s32 $0xC1A0;
	v11 =	vld [tilespmem:s24+$0xC000]  }
0x4f: {  	v37 =	vld [tilespmem:s28+$0xFFFFFFE0];
	v10 =	vadd.f32 v12, v10;
	v12 =	vmul.f32 v15, v15;
	v13 =	vadd.f32 v14, v13  }
0x50: {  	v14 =	vld [tilespmem:s3+$0x20];
	v15 =	vsub.f32 v18, v6;
	v18 =	vsub.f32 v19, v7  }
0x51: {  	v50 =	vld [tilespmem:s31+$0x0];
	v19 =	vsub.f32 v21, v6;
	v10 =	vmin.f32 v16, v10;
	v12 =	vadd.f32 v12, v13  }
0x52: {  	v21 =	vld [tilespmem:s31+$0x20];
	v16 =	vsub.f32 v17, v5;
	v15 =	vmul.f32 v15, v15;
	v17 =	vmul.f32 v18, v18  }
0x53: {  	v13 =	vld [tilespmem:s31+$0xFFFFFFE0];
	[tilespmem:s16+$0xFFFFFFF0] =	vst v10;
	v12 =	vmin.f32 v11, v12;
	v11 =	vsub.f32 v20, v7  }
0x54: {  	s2 =	sor.u32 $0x60, s6;
	v18 =	vld [tilespmem:s13+$0x0];
	v16 =	vmul.f32 v16, v16;
	v15 =	vadd.f32 v17, v15;
	[tilespmem:s24+$0xC000] =	vst v12  }
0x55: {  	v19 =	vmul.f32 v19, v19;
	v14 =	vsub.f32 v14, v5;
	v17 =	vld [tilespmem:s2+$0x0];
	v11 =	vmul.f32 v11, v11  }
0x56: {  	v15 =	vadd.f32 v16, v15;
	v16 =	vld [tilespmem:s2+$0x4000]  }
0x57: {  	v20 =	vld [tilespmem:s14+$0x0];
	v14 =	vmul.f32 v14, v14;
	v11 =	vadd.f32 v11, v19  }
0x58: {  	s24 =	sadd.s32 $0x80, s17;
	v19 =	vld [tilespmem:s2+$0x8000];
	v13 =	vmin.f32 v13, v15  }
0x59: {  	v31 =	vld [tilespmem:s24+$0xFFFFFFE0];
	[tilespmem:s31+$0xFFFFFFE0] =	vst v13;
	v11 =	vadd.f32 v14, v11;
	v14 =	vimm.f32 $-1.000000000e+00  }
0x5a: {  	v22 =	vld [tilespmem:s17+$0xFFFFFFF0];
	vm1 =	vgt.f32 v8, v14  }
0x5b: {  	v23 =	vld [tilespmem:s3+$0xFFFFFFF0];
	v17 =	vsub.f32 v17, v6;
	v16 =	vsub.f32 v16, v7;
	vm2 =	vgt.f32 v10, v14  }
0x5c: {  	s8 =	sadd.s32 $0xC0, s5;
	s9 =	sor.u32 $0x60, s7;
	v21 =	vmin.f32 v21, v11;
	v11 =	vld [tilespmem:s1+$0xFFFFFFF0];
	v8 =	vsel vm1, v8, v14;
	v30 =	vsel vm1, s10, v4  }
0x5d: {  	s25 =	sor.u32 $0x50, s8;
	v15 =	vld [tilespmem:s9+$0xC000];
	[tilespmem:s31+$0x20] =	vst v21;
	vm0 =	vgt.f32 v9, v8;
	v19 =	vsub.f32 v19, v5;
	v17 =	vmul.f32 v17, v17  }
0x5e: {  	v16 =	vmul.f32 v16, v16;
	v24 =	vld [tilespmem:s25+$0x0];
	v8 =	vsel vm0, v9, v8;
	v9 =	vsub.f32 v18, v6  }
0x5f: {  	v10 =	vsel vm2, v10, v14;
	v25 =	vld [tilespmem:s25+$0x4000];
	v18 =	vsub.f32 v20, v7;
	v22 =	vsub.f32 v22, v6  }
0x60: {  	s4 =	simm.s32 $0xC0;
	s2 =	sadd.s32 $0x80, s3;
	v26 =	vld [tilespmem:s25+$0x8000];
	v23 =	vsub.f32 v23, v5;
	v16 =	vadd.f32 v16, v17;
	v17 =	vmul.f32 v19, v19  }
0x61: {  	s26 =	sor.u32 $0x50, s4;
	v20 =	vld [tilespmem:s2+$0xFFFFFFE0];
	vm1 =	vgt.f32 v13, v8;
	v29 =	vmul.f32 v9, v9;
	v11 =	vsub.f32 v11, v7  }
0x62: {  	v32 =	vld [tilespmem:s26+$0xC000];
	s25 =	sadd.s32 $0x80, s1;
	v18 =	vmul.f32 v18, v18;
	v8 =	vsel vm1, v13, v8;
	v22 =	vmul.f32 v22, v22  }
0x63: {  	s11 =	simm.s32 $0x4;
	v33 =	vld [tilespmem:s25+$0x20];
	v23 =	vmul.f32 v23, v23;
	v16 =	vadd.f32 v17, v16;
	v11 =	vmul.f32 v11, v11  }
0x64: {  	v17 =	vsel vm0, s11, v30;
	v9 =	vsub.f32 v24, v6;
	v24 =	vsub.f32 v25, v7;
	v25 =	vld [tilespmem:s15+$0x0]  }
0x65: {  	v19 =	vld [tilespmem:s25+$0xFFFFFFE0];
	vm0 =	vgt.f32 v21, v8;
	v15 =	vmin.f32 v15, v16;
	v11 =	vadd.f32 v11, v22  }
0x66: {  	s6 =	sor.u32 $0x70, s6;
	[tilespmem:s9+$0xC000] =	vst v15;
	v22 =	vsub.f32 v26, v5;
	v9 =	vmul.f32 v9, v9;
	v24 =	vmul.f32 v24, v24;
	v26 =	vld [tilespmem:s16+$0x0]  }
0x67: {  	s20 =	sor.u32 $0x70, s7;
	v18 =	vadd.f32 v18, v29;
	v8 =	vsel vm0, v21, v8;
	v30 =	vld [tilespmem:s6+$0x8000];
	v11 =	vadd.f32 v23, v11  }
0x68: {  	v16 =	vsub.f32 v31, v6;
	v47 =	vld [tilespmem:s20+$0xC000];
	v22 =	vmul.f32 v22, v22;
	v24 =	vadd.f32 v24, v9  }
0x69: {  	s12 =	simm.s32 $0x1;
	v20 =	vsub.f32 v20, v5;
	v23 =	vld [tilespmem:s2+$0x20];
	v25 =	vsub.f32 v25, v5;
	v9 =	vmin.f32 v27, v11  }
0x6a: {  	v27 =	vld [tilespmem:s24+$0x20];
	v11 =	vadd.f32 v22, v24;
	v24 =	vsel vm2, s12, v4;
	vm2 =	vgt.f32 v12, v10;
	[tilespmem:s31+$0xFFFFFFF0] =	vst v9  }
0x6b: {  	v31 =	vsub.f32 v33, v7;
	v12 =	vsel vm2, v12, v10;
	v10 =	vsub.f32 v19, v7;
	v13 =	vld [tilespmem:s17+$0x0]  }
0x6c: {  	v16 =	vmul.f32 v16, v16;
	s12 =	simm.s32 $0x5;
	v25 =	vmul.f32 v25, v25;
	v11 =	vmin.f32 v32, v11;
	v22 =	vld [tilespmem:s1+$0x0]  }
0x6d: {  	v20 =	vmul.f32 v20, v20;
	v24 =	vsel vm2, s12, v24;
	s12 =	sadd.s32 $0x80, s25;
	v38 =	vld [tilespmem:s3+$0x0];
	[tilespmem:s26+$0xC000] =	vst v11;
	v10 =	vmul.f32 v10, v10;
	s26 =	simm.s32 $0x8  }
0x6e: {  	v51 =	vld [tilespmem:s12+$0x20];
	v23 =	vsub.f32 v23, v5;
	v18 =	vadd.f32 v25, v18;
	v17 =	vsel vm1, s26, v17  }
0x6f: {  	s29 =	sor.u32 $0x60, s8;
	v25 =	vld [tilespmem:s6+$0x0];
	vm1 =	vgt.f32 v9, v12;
	v27 =	vsub.f32 v27, v6;
	v10 =	vadd.f32 v10, v16  }
0x70: {  	s23 =	simm.s32 $0xC;
	v21 =	vld [tilespmem:s29+$0x0];
	v18 =	vmin.f32 v26, v18;
	v26 =	vmul.f32 v31, v31;
	v23 =	vmul.f32 v23, v23  }
0x71: {  	v29 =	vld [tilespmem:s29+$0x4000];
	v17 =	vsel vm0, s23, v17;
	v12 =	vsel vm1, v9, v12;
	vm2 =	vgt.f32 v18, v14  }
0x72: {  	s18 =	simm.s32 $0x2;
	v19 =	vld [tilespmem:s29+$0x8000];
	v13 =	vsub.f32 v13, v6;
	v27 =	vmul.f32 v27, v27;
	v22 =	vsub.f32 v22, v7  }
0x73: {  	v31 =	vld [tilespmem:s6+$0x4000];
	[tilespmem:s16+$0x0] =	vst v18;
	v10 =	vadd.f32 v20, v10;
	v18 =	vsel vm2, v18, v14;
	v48 =	vsel vm2, s18, v4  }
0x74: {  	v16 =	vld [tilespmem:s0+$0x20];
	s6 =	sadd.s32 $0x80, s24;
	v52 =	vsub.f32 v38, v5;
	vm2 =	vgt.f32 v15, v18;
	v25 =	vsub.f32 v25, v6  }
0x75: {  	s10 =	sor.u32 $0x60, s4;
	v39 =	vld [tilespmem:s6+$0xFFFFFFE0];
	v13 =	vmul.f32 v13, v13;
	v26 =	vadd.f32 v26, v27;
	v22 =	vmul.f32 v22, v22  }
0x76: {  	s21 =	simm.s32 $0x6;
	v20 =	vld [tilespmem:s10+$0xC000];
	v10 =	vmin.f32 v28, v10;
	v21 =	vsub.f32 v21, v6;
	v29 =	vsub.f32 v29, v7  }
0x77: {  	v28 =	vld [tilespmem:s14+$0x10];
	v19 =	vsub.f32 v19, v5;
	v18 =	vsel vm2, v15, v18;
	v33 =	vsel vm2, s21, v48  }
0x78: {  	v27 =	vld [tilespmem:s13+$0x10];
	[tilespmem:s0+$0xFFFFFFE0] =	vst v10;
	v31 =	vsub.f32 v31, v7;
	v25 =	vmul.f32 v25, v25;
	v23 =	vadd.f32 v23, v26  }
0x79: {  	vm2 =	vgt.f32 v10, v8;
	v34 =	vld [tilespmem:s24+$0xFFFFFFF0];
	v21 =	vmul.f32 v21, v21;
	v29 =	vmul.f32 v29, v29  }
0x7a: {  	s7 =	sadd.s32 $0x140, s5;
	v13 =	vadd.f32 v22, v13;
	v31 =	vmul.f32 v31, v31;
	v16 =	vmin.f32 v16, v23;
	v23 =	vld [tilespmem:s25+$0xFFFFFFF0]  }
0x7b: {  	s19 =	sor.u32 $0x50, s7;
	v22 =	vld [tilespmem:s2+$0xFFFFFFF0];
	v19 =	vmul.f32 v19, v19;
	v21 =	vadd.f32 v29, v21;
	v29 =	vsub.f32 v30, v5;
	[tilespmem:s0+$0x20] =	vst v16  }
0x7c: {  	v8 =	vsel vm2, v10, v8;
	v25 =	vadd.f32 v31, v25;
	v28 =	vsub.f32 v28, v7;
	v35 =	vld [tilespmem:s19+$0x0]  }
0x7d: {  	s22 =	simm.s32 $0x9;
	vm0 =	vgt.f32 v16, v8;
	v49 =	vld [tilespmem:s19+$0x4000];
	v19 =	vadd.f32 v19, v21;
	v29 =	vmul.f32 v29, v29  }
0x7e: {  	v36 =	vld [tilespmem:s19+$0x8000];
	v21 =	vsel vm1, s22, v24;
	v8 =	vsel vm0, v16, v8;
	v30 =	vsub.f32 v34, v6  }
0x7f: {  	s11 =	sadd.s32 $0x80, s2;
	vm1 =	vgt.f32 v11, v12;
	v25 =	vadd.f32 v29, v25;
	v29 =	vld [tilespmem:s12+$0xFFFFFFE0];
	v23 =	vsub.f32 v23, v7  }
0x80: {  	v31 =	vld [tilespmem:s11+$0xFFFFFFE0];
	v22 =	vsub.f32 v22, v5;
	v16 =	vmul.f32 v28, v28;
	v28 =	vsub.f32 v39, v6  }
0x81: {  	v15 =	vld [tilespmem:s16+$0x10];
	v11 =	vsel vm1, v11, v12;
	v30 =	vmul.f32 v30, v30;
	v23 =	vmul.f32 v23, v23  }
0x82: {  	v24 =	vld [tilespmem:s0+$0xFFFFFFF0];
	v56 =	vmin.f32 v20, v19;
	v35 =	vsub.f32 v35, v6;
	v34 =	vsub.f32 v49, v7  }
0x83: {  	s9 =	simm.s32 $0x140;
	s13 =	sor.u32 $0x70, s8;
	v26 =	vld [tilespmem:s15+$0x10];
	v22 =	vmul.f32 v22, v22;
	[tilespmem:s10+$0xC000] =	vst v56;
	v23 =	vadd.f32 v23, v30;
	v30 =	vsub.f32 v36, v5  }
0x84: {  	s18 =	sor.u32 $0x50, s9;
	v57 =	vld [tilespmem:s13+$0x8000];
	v35 =	vmul.f32 v35, v35;
	v34 =	vmul.f32 v34, v34;
	v19 =	vsub.f32 v29, v7  }
0x85: {  	v28 =	vmul.f32 v28, v28;
	v12 =	vsub.f32 v31, v5;
	v10 =	vadd.f32 v22, v23;
	v23 =	vld [tilespmem:s18+$0xC000]  }
0x86: {  	v22 =	vmul.f32 v30, v30;
	v30 =	vld [tilespmem:s11+$0x20];
	v34 =	vadd.f32 v34, v35;
	v19 =	vmul.f32 v19, v19  }
0x87: {  	v54 =	vmin.f32 v47, v25;
	v25 =	vmul.f32 v52, v52;
	v10 =	vmin.f32 v24, v10;
	v24 =	vld [tilespmem:s6+$0x20]  }
0x88: {  	v58 =	vld [tilespmem:s13+$0x0];
	v20 =	vmul.f32 v12, v12;
	v22 =	vadd.f32 v22, v34;
	v19 =	vadd.f32 v19, v28;
	[tilespmem:s0+$0xFFFFFFF0] =	vst v10  }
0x89: {  	v27 =	vsub.f32 v27, v6;
	s10 =	sor.u32 $0x70, s4;
	v13 =	vadd.f32 v25, v13;
	v53 =	vld [tilespmem:s24+$0x0]  }
0x8a: {  	s29 =	simm.s32 $0xD;
	v26 =	vsub.f32 v26, v5;
	v12 =	vld [tilespmem:s10+$0xC000];
	v19 =	vadd.f32 v20, v19;
	v9 =	vmin.f32 v23, v22  }
0x8b: {  	s19 =	sor.u32 $0x60, s7;
	v55 =	vsel vm1, s29, v21;
	v13 =	vmin.f32 v50, v13;
	v22 =	vsub.f32 v30, v5;
	v23 =	vld [tilespmem:s25+$0x0];
	[tilespmem:s18+$0xC000] =	vst v9  }
0x8c: {  	v30 =	vsub.f32 v51, v7;
	v20 =	vmin.f32 v37, v19;
	v31 =	vld [tilespmem:s19+$0x0];
	v21 =	vsub.f32 v24, v6  }
0x8d: {  	v27 =	vmul.f32 v27, v27;
	v25 =	vmul.f32 v26, v26;
	vm3 =	vgt.f32 v13, v18;
	v24 =	vld [tilespmem:s19+$0x4000];
	[tilespmem:s28+$0xFFFFFFE0] =	vst v20  }
0x8e: {  	v30 =	vmul.f32 v30, v30;
	v60 =	vld [tilespmem:s6+$0xFFFFFFF0];
	v21 =	vmul.f32 v21, v21;
	v26 =	vsub.f32 v53, v6  }
0x8f: {  	v16 =	vadd.f32 v16, v27;
	v18 =	vsel vm3, v13, v18;
	vm1 =	vgt.f32 v10, v11;
	v61 =	vld [tilespmem:s11+$0xFFFFFFF0]  }
0x90: {  	s8 =	simm.s32 $0x10;
	v40 =	vld [tilespmem:s12+$0xFFFFFFF0];
	v23 =	vsub.f32 v23, v7;
	v26 =	vmul.f32 v26, v26;
	v27 =	vadd.f32 v30, v21  }
0x91: {  	v28 =	vld [tilespmem:s28+$0x20];
	v21 =	vsel vm2, s8, v17;
	v17 =	vmul.f32 v22, v22;
	vm2 =	vgt.f32 v56, v18  }
0x92: {  	v29 =	vld [tilespmem:s19+$0x8000];
	v22 =	vmul.f32 v23, v23;
	v23 =	vadd.f32 v25, v16;
	v24 =	vsub.f32 v24, v7  }
0x93: {  	s22 =	sor.u32 $0x60, s9;
	[tilespmem:s31+$0x0] =	vst v13;
	s18 =	simm.s32 $0xA;
	v30 =	vld [tilespmem:s13+$0x4000];
	v18 =	vsel vm2, v56, v18;
	v13 =	vadd.f32 v17, v27;
	v17 =	vsub.f32 v31, v6  }
0x94: {  	v16 =	vld [tilespmem:s22+$0xC000];
	v31 =	vsel vm3, s18, v33;
	v63 =	vsub.f32 v60, v6;
	v34 =	vsub.f32 v61, v5  }
0x95: {  	s19 =	simm.s32 $0xE;
	v25 =	vld [tilespmem:s3+$0x10];
	v36 =	vsub.f32 v40, v7;
	v19 =	vadd.f32 v22, v26;
	v59 =	vmin.f32 v15, v23  }
0x96: {  	v27 =	vld [tilespmem:s17+$0x10];
	v15 =	vsel vm2, s19, v31;
	v24 =	vmul.f32 v24, v24;
	v13 =	vmin.f32 v28, v13  }
0x97: {  	v26 =	vld [tilespmem:s1+$0x10];
	s1 =	sadd.s32 $0x1C0, s5;
	vm2 =	vgt.f32 v59, v14;
	v28 =	vsub.f32 v29, v5;
	v17 =	vmul.f32 v17, v17  }
0x98: {  	s29 =	sor.u32 $0x50, s1;
	v29 =	vsub.f32 v58, v6;
	v62 =	vsel vm2, v59, v14;
	[tilespmem:s28+$0x20] =	vst v13;
	v14 =	vld [tilespmem:s31+$0x10];
	v30 =	vsub.f32 v30, v7  }
0x99: {  	s23 =	simm.s32 $0x3;
	s21 =	simm.s32 $0x11;
	v35 =	vmul.f32 v63, v63;
	v31 =	vld [tilespmem:s29+$0x0];
	v17 =	vadd.f32 v24, v17;
	v24 =	vmul.f32 v28, v28  }
0x9a: {  	s4 =	sadd.s32 $0x80, s12;
	[tilespmem:s20+$0xC000] =	vst v54;
	s20 =	sadd.s32 $0x80, s6;
	s3 =	simm.s32 $0x1C0;
	v22 =	vsel vm1, s21, v55;
	v32 =	vld [tilespmem:s29+$0x4000];
	v29 =	vmul.f32 v29, v29;
	v41 =	vmul.f32 v30, v30  }
0x9b: {  	s17 =	simm.s32 $0x18;
	s18 =	simm.s32 $0x7;
	s19 =	simm.s32 $0x20;
	v23 =	vsel vm2, s23, v4;
	vm2 =	vgt.f32 v54, v62;
	v28 =	vsub.f32 v57, v5;
	v33 =	vld [tilespmem:s29+$0x8000]  }
0x9c: {  	s21 =	sadd.s32 $0x80, s11;
	[tilespmem:s16+$0x10] =	vst v59;
	s16 =	simm.s32 $0xC1A0;
	s23 =	simm.s32 $0x1C0;
	v30 =	vld [tilespmem:s28+$0xFFFFFFF0];
	v24 =	vadd.f32 v24, v17;
	v17 =	vsel vm2, v54, v62;
	v29 =	vadd.f32 v41, v29  }
.LBB2_5:
0x9d: {  	p1 =	slt.u32 s19, $0x78;
	s28 =	sadd.s32 $0x80, s28  }
0x9e: {  	v37 =	vld [tilespmem:s21+$0xFFFFFFE0];
	v27 =	vsub.f32 v27, v6;
	v26 =	vsub.f32 v26, v7;
	v23 =	vsel vm2, s18, v23;
	s29 =	smov.u32 s17;
	s17 =	smov.u32 s19;
	s19 =	sadd.s32 $0x8, s19  }
0x9f: {  	v25 =	vsub.f32 v25, v5;
	v38 =	vld [tilespmem:s28+$0xFFFFFFE0];
	v36 =	vmul.f32 v36, v36;
	v31 =	vsub.f32 v31, v6  }
0xa0: {  	v34 =	vmul.f32 v34, v34;
	v32 =	vsub.f32 v32, v7;
	v39 =	vld [tilespmem:s2+$0x0];
	v27 =	vmul.f32 v27, v27  }
0xa1: {  	s18 =	sadd.s32 $0x4, s8;
	v40 =	vld [tilespmem:s20+$0xFFFFFFE0];
	v35 =	vadd.f32 v36, v35;
	v33 =	vsub.f32 v33, v5;
	v31 =	vmul.f32 v31, v31  }
0xa2: {  	vm2 =	vgt.f32 v20, v8;
	s13 =	sor.u32 $0x50, s23;
	v21 =	vsel vm0, s18, v21;
	v32 =	vmul.f32 v32, v32;
	v36 =	vld [tilespmem:s0+$0x0]  }
0xa3: {  	v8 =	vsel vm2, v20, v8;
	v20 =	vadd.f32 v34, v35;
	v33 =	vmul.f32 v33, v33;
	v34 =	vld [tilespmem:s13+$0xC000]  }
0xa4: {  	v28 =	vmul.f32 v28, v28;
	vm0 =	vgt.f32 v13, v8;
	v35 =	vld [tilespmem:s21+$0x20];
	v31 =	vadd.f32 v32, v31  }
0xa5: {  	v8 =	vsel vm0, v13, v8;
	v13 =	vmul.f32 v26, v26;
	v32 =	vld [tilespmem:s4+$0x20];
	v20 =	vmin.f32 v30, v20  }
0xa6: {  	v11 =	vsel vm1, v10, v11;
	v28 =	vadd.f32 v28, v29;
	v26 =	vld [tilespmem:s20+$0x20];
	[tilespmem:s16+$0xFFFFFFF0] =	vst v20;
	v30 =	vadd.f32 v33, v31  }
0xa7: {  	vm1 =	vgt.f32 v9, v11;
	v39 =	vsub.f32 v39, v5;
	v31 =	vsub.f32 v40, v6;
	v10 =	vmovc v20;
	v33 =	vld [tilespmem:s4+$0xFFFFFFE0]  }
0xa8: {  	s18 =	sor.u32 $0x60, s1;
	v11 =	vsel vm1, v9, v11;
	v29 =	vmin.f32 v12, v28;
	v20 =	vld [tilespmem:s6+$0x0];
	v9 =	vmin.f32 v34, v30  }
0xa9: {  	v12 =	vsub.f32 v37, v5;
	v34 =	vmul.f32 v39, v39;
	v28 =	vsub.f32 v35, v5;
	v30 =	vld [tilespmem:s12+$0x0];
	[tilespmem:s13+$0xC000] =	vst v9;
	s13 =	sadd.s32 $0x5, s8  }
0xaa: {  	v31 =	vmul.f32 v31, v31;
	v32 =	vsub.f32 v32, v7;
	v35 =	vld [tilespmem:s18+$0x0];
	v22 =	vsel vm1, s13, v22;
	[tilespmem:s10+$0xC000] =	vst v29  }
0xab: {  	s23 =	sadd.s32 $0x80, s23;
	v24 =	vmin.f32 v16, v24;
	v19 =	vadd.f32 v34, v19;
	v26 =	vsub.f32 v26, v6;
	v37 =	vld [tilespmem:s18+$0x4000]  }
0xac: {  	v25 =	vmul.f32 v25, v25;
	s13 =	sor.u32 $0x70, s7;
	s7 =	smov.u32 s1;
	v16 =	vsub.f32 v33, v7;
	v33 =	vmul.f32 v12, v12;
	v34 =	vld [tilespmem:s18+$0x8000];
	[tilespmem:s22+$0xC000] =	vst v24  }
0xad: {  	s10 =	sor.u32 $0x70, s9;
	s9 =	smov.u32 s3;
	s3 =	smov.u32 s23;
	v19 =	vmin.f32 v36, v19;
	v26 =	vmul.f32 v26, v26;
	v20 =	vsub.f32 v20, v6;
	v36 =	vld [tilespmem:s13+$0x8000]  }
0xae: {  	v13 =	vadd.f32 v13, v27;
	v32 =	vmul.f32 v32, v32;
	v16 =	vmul.f32 v16, v16;
	[tilespmem:s0+$0x0] =	vst v19;
	v12 =	vld [tilespmem:s10+$0xC000]  }
0xaf: {  	vm3 =	vgt.f32 v19, v18;
	v27 =	vsub.f32 v30, v7;
	v30 =	vmul.f32 v20, v20;
	v39 =	vld [tilespmem:s13+$0x0]  }
0xb0: {  	v21 =	vsel vm2, s29, v21;
	v20 =	vadd.f32 v32, v26;
	v16 =	vadd.f32 v16, v31;
	v31 =	vld [tilespmem:s28+$0x20]  }
0xb1: {  	v40 =	vadd.f32 v25, v13;
	s22 =	sor.u32 $0x60, s9;
	v26 =	vmul.f32 v28, v28;
	v28 =	vmul.f32 v27, v27;
	v32 =	vld [tilespmem:s13+$0x4000]  }
0xb2: {  	vm1 =	vgt.f32 v10, v11;
	s1 =	sadd.s32 $0x2, s8;
	v18 =	vsel vm3, v19, v18;
	v13 =	vadd.f32 v33, v16;
	v16 =	vld [tilespmem:s22+$0xC000]  }
0xb3: {  	v15 =	vsel vm3, s1, v15;
	v25 =	vadd.f32 v26, v20;
	v33 =	vsub.f32 v35, v6;
	v27 =	vld [tilespmem:s24+$0x10];
	s24 =	smov.u32 s6;
	s6 =	smov.u32 s20  }
0xb4: {  	vm2 =	vgt.f32 v24, v18;
	v19 =	vadd.f32 v28, v30;
	v20 =	vmin.f32 v38, v13;
	v26 =	vld [tilespmem:s25+$0x10];
	s25 =	smov.u32 s12;
	s12 =	smov.u32 s4  }
0xb5: {  	v14 =	vmin.f32 v14, v40;
	s1 =	sadd.s32 s23, s5;
	s13 =	sadd.s32 $0x6, s8;
	v28 =	vsub.f32 v37, v7;
	[tilespmem:s28+$0xFFFFFFE0] =	vst v20;
	v13 =	vmin.f32 v31, v25;
	v25 =	vld [tilespmem:s2+$0x10];
	s2 =	smov.u32 s11  }
0xb6: {  	s18 =	sor.u32 $0x50, s1;
	v18 =	vsel vm2, v24, v18;
	v15 =	vsel vm2, s13, v15;
	vm2 =	vgt.f32 v14, v17;
	s13 =	sadd.s32 $0x3, s26;
	s11 =	sadd.s32 $0x1, s29;
	v30 =	vld [tilespmem:s20+$0xFFFFFFF0];
	[tilespmem:s31+$0x10] =	vst v14  }
0xb7: {  	v17 =	vsel vm2, v14, v17;
	v23 =	vsel vm2, s13, v23;
	v22 =	vsel vm1, s11, v22;
	s31 =	smov.u32 s0;
	s0 =	smov.u32 s16;
	s16 =	smov.u32 s28;
	v24 =	vld [tilespmem:s21+$0xFFFFFFF0];
	[tilespmem:s28+$0x20] =	vst v13  }
0xb8: {  	v34 =	vsub.f32 v34, v5;
	v33 =	vmul.f32 v33, v33;
	v28 =	vmul.f32 v28, v28;
	s11 =	smov.u32 s21;
	v35 =	vld [tilespmem:s4+$0xFFFFFFF0]  }
.Ltmp3:
0xb9: {  	v37 =	vsub.f32 v39, v6;
	vm2 =	vgt.f32 v29, v17;
	v38 =	vsub.f32 v32, v7;
	v14 =	vld [tilespmem:s31+$0x10];
	(pc) =	sbr.rel @p1 .LBB2_5-.Ltmp3, $4  }
0xba: {  	v40 =	vmul.f32 v34, v34;
	v39 =	vadd.f32 v28, v33;
	v28 =	vsub.f32 v36, v5;
	v31 =	vld [tilespmem:s18+$0x0]  }
0xbb: {  	v37 =	vmul.f32 v37, v37;
	v38 =	vmul.f32 v38, v38;
	v30 =	vsub.f32 v30, v6;
	v32 =	vld [tilespmem:s18+$0x4000]  }
0xbc: {  	v17 =	vsel vm2, v29, v17;
	v34 =	vsub.f32 v24, v5;
	v33 =	vld [tilespmem:s18+$0x8000];
	v24 =	vadd.f32 v40, v39;
	s18 =	sadd.s32 $0x7, s26;
	s26 =	smov.u32 s8;
	s8 =	smov.u32 s29  }
0xbd: {  	s20 =	sadd.s32 $0x80, s20;
	s21 =	sadd.s32 $0x80, s21;
	s4 =	sadd.s32 $0x80, s4;
	v29 =	vadd.f32 v38, v37;
	v36 =	vsub.f32 v35, v7;
	v35 =	vmul.f32 v30, v30;
	v30 =	vld [tilespmem:s28+$0xFFFFFFF0]  }
0xbe: {  	v27 =	vsub.f32 v27, v6  }
0xbf: {  	v34 =	vmul.f32 v34, v34;
	v26 =	vsub.f32 v26, v7;
	v23 =	vsel vm2, s18, v23  }
0xc0: {  	v25 =	vsub.f32 v25, v5;
	v11 =	vsel vm1, v10, v11;
	v16 =	vmin.f32 v16, v24  }
0xc1: {  	s13 =	sadd.s32 $0x4, s8;
	v46 =	vmul.f32 v28, v28;
	vm12 =	vgt.f32 v20, v8;
	v36 =	vmul.f32 v36, v36  }
0xc2: {  	v37 =	vld [tilespmem:s2+$0x0];
	v31 =	vsub.f32 v31, v6;
	v21 =	vsel vm0, s13, v21;
	v32 =	vsub.f32 v32, v7  }
0xc3: {  	vm8 =	vgt.f32 v9, v11;
	v20 =	vsel vm12, v20, v8;
	v35 =	vadd.f32 v36, v35  }
0xc4: {  	s4 =	sor.u32 $0x50, s23;
	v33 =	vsub.f32 v33, v5;
	v31 =	vmul.f32 v31, v31;
	v32 =	vmul.f32 v32, v32  }
0xc5: {  	s29 =	sadd.s32 $0x5, s8;
	v43 =	vld [tilespmem:s4+$0xC000];
	v27 =	vmul.f32 v27, v27;
	v26 =	vmul.f32 v26, v26;
	v34 =	vadd.f32 v34, v35  }
0xc6: {  	v42 =	vld [tilespmem:s0+$0x0];
	s23 =	sor.u32 $0x70, s7;
	[tilespmem:s22+$0xC000] =	vst v16;
	v22 =	vsel vm8, s29, v22;
	v33 =	vmul.f32 v33, v33;
	v31 =	vadd.f32 v32, v31  }
0xc7: {  	v11 =	vsel vm8, v9, v11;
	v62 =	vld [tilespmem:s23+$0x4000];
	v41 =	vsub.f32 v37, v5;
	v30 =	vmin.f32 v30, v34  }
0xc8: {  	v25 =	vmul.f32 v25, v25;
	v24 =	vadd.f32 v46, v29;
	v37 =	vld [tilespmem:s23+$0x8000];
	v31 =	vadd.f32 v33, v31;
	[tilespmem:s16+$0xFFFFFFF0] =	vst v30  }
0xc9: {  	s28 =	sadd.s32 $0x4, s17;
	v21 =	vsel vm12, s17, v21;
	vm13 =	vgt.f32 v13, v20;
	v36 =	vmul.f32 v41, v41;
	v44 =	vld [tilespmem:s6+$0x0]  }
0xca: {  	v21 =	vsel vm13, s28, v21;
	v26 =	vadd.f32 v26, v27;
	v45 =	vld [tilespmem:s12+$0x0];
	v10 =	vmin.f32 v43, v31  }
0xcb: {  	s18 =	sor.u32 $0x60, s1;
	v13 =	vsel vm13, v13, v20;
	vm11 =	vgt.f32 v30, v11;
	v19 =	vadd.f32 v36, v19;
	v48 =	vld [tilespmem:s11+$0x0];
	[tilespmem:s4+$0xC000] =	vst v10  }
0xcc: {  	s21 =	sadd.s32 $0x1, s17;
	v8 =	vmin.f32 v12, v24;
	v25 =	vadd.f32 v25, v26;
	v11 =	vsel vm11, v30, v11;
	v9 =	vld [tilespmem:s18+$0x0]  }
0xcd: {  	s29 =	sadd.s32 $0x5, s17;
	v22 =	vsel vm11, s21, v22;
	v19 =	vmin.f32 v42, v19;
	vm1 =	vgt.f32 v10, v11;
	v47 =	vld [tilespmem:s18+$0x4000]  }
0xce: {  	v41 =	vsub.f32 v62, v7;
	vm9 =	vgt.f32 v19, v18;
	v22 =	vsel vm1, s29, v22  }
0xcf: {  	s19 =	sadd.s32 $0x2, s8;
	v50 =	vld [tilespmem:s18+$0x8000];
	v18 =	vsel vm9, v19, v18;
	v49 =	vsub.f32 v44, v6;
	v51 =	vsub.f32 v45, v7  }
0xd0: {  	v59 =	vld [tilespmem:s16+$0x0];
	v15 =	vsel vm9, s19, v15;
	vm8 =	vlt.s32 v22, v21;
	v27 =	vsub.f32 v48, v5  }
0xd1: {  	v56 =	vld [tilespmem:s23+$0x0];
	[tilespmem:s0+$0x0] =	vst v19;
	v44 =	vsub.f32 v37, v5;
	v53 =	vmul.f32 v49, v49;
	v19 =	vmul.f32 v51, v51  }
0xd2: {  	v52 =	vld [tilespmem:s24+$0x10];
	vm10 =	vgt.f32 v16, v18;
	v55 =	vsub.f32 v9, v6;
	v57 =	vsub.f32 v47, v7  }
0xd3: {  	v54 =	vld [tilespmem:s25+$0x10];
	v27 =	vmul.f32 v27, v27;
	v9 =	vmin.f32 v14, v25;
	v12 =	vadd.f32 v19, v53  }
0xd4: {  	s20 =	sadd.s32 $0x6, s8;
	v60 =	vld [tilespmem:s2+$0x10];
	s25 =	sor.u32 $0x60, s3;
	v61 =	vsub.f32 v50, v5;
	v58 =	vmul.f32 v55, v55;
	v25 =	vmul.f32 v57, v57  }
0xd5: {  	v63 =	vld [tilespmem:s25+$0xC000];
	v45 =	vmul.f32 v41, v41;
	v15 =	vsel vm10, s20, v15;
	v12 =	vadd.f32 v27, v12  }
0xd6: {  	v16 =	vsel vm10, v16, v18;
	v36 =	vmul.f32 v61, v61;
	v19 =	vadd.f32 v25, v58  }
0xd7: {  	v40 =	vld [tilespmem:s0+$0x10];
	s7 =	sor.u32 $0x70, s9;
	v14 =	vsub.f32 v56, v6;
	v26 =	vsub.f32 v52, v6;
	v12 =	vmin.f32 v59, v12  }
0xd8: {  	v48 =	vmul.f32 v44, v44;
	v51 =	vld [tilespmem:s7+$0xC000];
	v24 =	vsub.f32 v54, v7;
	v19 =	vadd.f32 v36, v19;
	[tilespmem:s16+$0x0] =	vst v12  }
0xd9: {  	vm3 =	vgt.f32 v9, v17;
	v39 =	vsub.f32 v60, v5;
	v14 =	vmul.f32 v14, v14;
	v38 =	vld [tilespmem:s6+$0x10]  }
0xda: {  	s24 =	sadd.s32 $0x3, s26;
	v26 =	vmul.f32 v26, v26;
	v24 =	vmul.f32 v24, v24;
	v42 =	vld [tilespmem:s12+$0x10];
	v19 =	vmin.f32 v63, v19  }
0xdb: {  	s4 =	sor.u32 $0x70, s1;
	v17 =	vsel vm3, v9, v17;
	v23 =	vsel vm3, s24, v23;
	v14 =	vadd.f32 v45, v14;
	v49 =	vld [tilespmem:s11+$0x10];
	[tilespmem:s25+$0xC000] =	vst v19  }
0xdc: {  	s26 =	sadd.s32 $0x7, s26;
	vm14 =	vgt.f32 v8, v17;
	v43 =	vmul.f32 v39, v39;
	v24 =	vadd.f32 v24, v26;
	v46 =	vld [tilespmem:s4+$0x0]  }
0xdd: {  	v23 =	vsel vm14, s26, v23;
	vm0 =	vgt.f32 v12, v16;
	v14 =	vadd.f32 v48, v14;
	v47 =	vld [tilespmem:s4+$0x4000]  }
0xde: {  	v17 =	vsel vm14, v8, v17;
	v18 =	vadd.f32 v43, v24;
	v12 =	vsel vm0, v12, v16;
	s6 =	sadd.s32 $0x2, s17;
	v50 =	vld [tilespmem:s4+$0x8000]  }
0xdf: {  	v15 =	vsel vm0, s6, v15;
	v14 =	vmin.f32 v51, v14;
	v52 =	vsub.f32 v38, v6  }
0xe0: {  	vm15 =	vgt.f32 v19, v12;
	v18 =	vmin.f32 v40, v18;
	v53 =	vsub.f32 v42, v7  }
0xe1: {  	vm3 =	vgt.f32 v18, v17;
	v16 =	vsub.f32 v49, v5;
	v54 =	vmul.f32 v52, v52  }
0xe2: {  	v55 =	vmul.f32 v53, v53;
	v6 =	vsub.f32 v46, v6;
	v7 =	vsub.f32 v47, v7  }
0xe3: {  	v56 =	vld [tilespmem:s16+$0x10];
	v17 =	vsel vm3, v18, v17;
	v16 =	vmul.f32 v16, v16;
	v5 =	vsub.f32 v50, v5  }
0xe4: {  	s11 =	sadd.s32 $0x3, s8;
	v20 =	vadd.f32 v55, v54;
	v6 =	vmul.f32 v6, v6;
	v7 =	vmul.f32 v7, v7  }
0xe5: {  	s12 =	sor.u32 $0x70, s3;
	v23 =	vsel vm3, s11, v23;
	vm6 =	vgt.f32 v14, v17;
	v5 =	vmul.f32 v5, v5  }
0xe6: {  	s9 =	sadd.s32 $0x6, s17;
	s13 =	sadd.s32 $0x7, s8;
	v6 =	vadd.f32 v7, v6;
	v7 =	vsel vm1, v10, v11;
	v10 =	vld [tilespmem:s12+$0xC000];
	v11 =	vadd.f32 v16, v20  }
0xe7: {  	v15 =	vsel vm15, s9, v15;
	v57 =	vsel vm6, v14, v17;
	v58 =	vsel vm6, s13, v23  }
0xe8: {  	vm7 =	veq.f32 v7, v13;
	v5 =	vadd.f32 v5, v6;
	v6 =	vmin.f32 v56, v11  }
0xe9: {  	s18 =	sadd.s32 $0x3, s17;
	vm10 =	vgt.f32 v7, v13;
	vm1 =	vmand vm7, vm8;
	vm9 =	vgt.f32 v6, v57  }
0xea: {  	v12 =	vsel vm15, v19, v12;
	vm11 =	vmor vm10, vm1;
	v11 =	vsel vm9, s18, v58  }
0xeb: {  	v7 =	vsel vm11, v7, v13;
	v5 =	vmin.f32 v10, v5;
	v10 =	vsel vm11, v22, v21  }
0xec: {  	v59 =	vsel vm9, v6, v57;
	vm12 =	veq.f32 v12, v7;
	vm13 =	vlt.s32 v15, v10  }
0xed: {  	s19 =	sadd.s32 $0x7, s17;
	vm15 =	vgt.f32 v12, v7;
	vm14 =	vgt.f32 v5, v59;
	vm0 =	vmand vm12, vm13  }
0xee: {  	v11 =	vsel vm14, s19, v11;
	vm0 =	vmor vm15, vm0  }
0xef: {  	v13 =	vsel vm14, v5, v59;
	v7 =	vsel vm0, v12, v7;
	v10 =	vsel vm0, v15, v10  }
0xf0: {  	vm6 =	veq.f32 v13, v7;
	vm7 =	vlt.s32 v11, v10  }
0xf1: {  	vm2 =	vgt.f32 v13, v7;
	vm0 =	vmand vm6, vm7  }
0xf2: {  	vm0 =	vmor vm2, vm0  }
0xf3: {  	v7 =	vsel vm0, v13, v7  }
0xf4: {  	(xrf0) =	vmax.scan.msk.f32 $0xffff, v7;
	_ =	sdelay $0x5  }
0xf5: {  	v10 =	vsel vm0, v11, v10;
	v11, _, _ =	vpop (xrf0)  }
0xf6: {  	v10 =	vshll.u32 v10, $0x4;
	v11 =	vbroadcast v11, $0xF  }
0xf7: {  	v10 =	vadd.s32 v1, v10  }
0xf8: {  	vm8 =	veq.f32 v7, v11;
	v7 =	vxor.u32 v3, v10  }
0xf9: {  	v7 =	vnsel vm8, $0xFFFFFFFF, v7  }
0xfa: {  	(xrf0) =	vmin.scan.msk.u32 $0xffff, v7;
	_ =	sdelay $0x5  }
0xfb: {  	v7, _, _ =	vpop (xrf0)  }
0xfc: {  	(v2sf) =	vpush v7, $0xF;
	_ =	sdelay $0xa  }
0xfd: {  	[tilespmem:s10+$0xC000] =	vst v8  }
0xfe: {  	[tilespmem:s31+$0x10] =	vst v9  }
0xff: {  	[tilespmem:s7+$0xC000] =	vst v14  }
0x100: {  	[tilespmem:s0+$0x10] =	vst v18  }
0x101: {  	s21 =	sshll.u32 s30, $0x1;
	[tilespmem:s12+$0xC000] =	vst v5;
	s20 =	spop (v2sf)  }
0x102: {  	s23 =	sand.u32 $0x2, s21;
	s24 =	rddreg [dreg:$0x8];
	s22 =	sxor.u32 $0x80000000, s20  }
0x103: {  	s0 =	sor.u32 s24, s23;
	v5 =	vmov s22  }
0x104: {  	s25 =	rddreg [dreg:$0x6];
	[tilespmem:s16+$0x10] =	vst v6;
	s0 =	sshll.u32 s0, $0x8;
	v5 =	vbroadcast v5, $0x0  }
0x105: {  	s26 =	rddreg [dreg:$0x11];
	s0 =	sadd.s32 s0, s25;
	[tilespmem:$0xC800] =	vst v11  }
0x106: {  	s28 =	simm.s32 $0xC800;
	s29 =	simm.s32 $0x1;
	s1 =	sadd.s32 s26, s0;
	[tilespmem:$0xC810] =	vst v5  }
0x107: {  	[spmem:s1] =	stream.linear.scatter [tilespmem:s28], [sflag:$0x1], $0x20, $0x38;
	[tilespmem:$0xD1C0] =	vst v63  }
0x108: {  	_ =	swait.ge [sflag:s29], $0x20  }
0x109: {  	[sflag:s29] =	ssyncset.done $0x0  }
0x10a: {  	[sflag:s29] =	ssyncadd.s32 $0xFFFFFFE0  }
0x10b: {  	s31 =	simm.s32 $0xC880;
	[bflag:$0x0] =	sbarrier.arrive $0xFFFF  }
0x10c: {  	[tilespmem:s31], [sflag:$0x1] =	stream.linear.gather [spmem:s0], $0x100, $0x38;
	[tilespmem:$0xD1C0] =	vst v63  }
0x10d: {  	_ =	swait.ge [sflag:s29], $0x100  }
0x10e: {  	[sflag:s29] =	ssyncset.done $0x0  }
0x10f: {  	[sflag:s29] =	ssyncadd.s32 $0xFFFFFF00  }
0x110: {  	v5 =	vld [tilespmem:$0xC880]  }
0x111: {  	v6 =	vld [tilespmem:$0xC890]  }
0x112: {  	v7 =	vld [tilespmem:$0xC8A0]  }
0x113: {  	v8 =	vld [tilespmem:$0xC8B0]  }
0x114: {  	v9 =	vld [tilespmem:$0xC8C0]  }
0x115: {  	v10 =	vld [tilespmem:$0xC8D0]  }
0x116: {  	v11 =	vld [tilespmem:$0xC8E0]  }
0x117: {  	v60 =	vld [tilespmem:$0xC8F0];
	vm9 =	vgt.f32 v7, v5  }
0x118: {  	v5 =	vsel vm9, v7, v5;
	v7 =	vld [tilespmem:$0xC900]  }
0x119: {  	v61 =	vld [tilespmem:$0xC910];
	vm10 =	vgt.f32 v9, v5  }
0x11a: {  	v5 =	vsel vm10, v9, v5;
	v9 =	vld [tilespmem:$0xC920]  }
0x11b: {  	v62 =	vld [tilespmem:$0xC930];
	vm11 =	vgt.f32 v11, v5  }
0x11c: {  	v5 =	vsel vm11, v11, v5;
	v11 =	vld [tilespmem:$0xC940]  }
0x11d: {  	v63 =	vld [tilespmem:$0xC950];
	vm12 =	vgt.f32 v7, v5  }
0x11e: {  	s30 =	sadd.s32 $0x1, s30;
	v6 =	vsel vm9, v8, v6;
	v5 =	vsel vm12, v7, v5;
	v7 =	vld [tilespmem:$0xC960]  }
0x11f: {  	p1 =	sne.s32 s30, $0x200;
	v8 =	vld [tilespmem:$0xC970];
	v6 =	vsel vm10, v10, v6;
	vm13 =	vgt.f32 v9, v5  }
.Ltmp4:
0x120: {  	v6 =	vsel vm11, v60, v6;
	v5 =	vsel vm13, v9, v5;
	(pc) =	sbr.rel @p1 .LBB2_4-.Ltmp4, $4  }
0x121: {  	v6 =	vsel vm12, v61, v6;
	vm14 =	vgt.f32 v11, v5  }
0x122: {  	v6 =	vsel vm13, v62, v6;
	v5 =	vsel vm14, v11, v5  }
0x123: {  	v6 =	vsel vm14, v63, v6;
	vm15 =	vgt.f32 v7, v5  }
0x124: {  	v8 =	vsel vm15, v8, v6  }
.Ltmp5:
0x125: {  	(pc) =	sbr.rel @p0 .LBB2_9-.Ltmp5, $2  }
0x126: {  	_ =	sdelay $0x2  }
0x127: {  	s6 =	rddreg [dreg:$0x12]  }
0x128: {  	v4 =	vld [tilespmem:$0xC980];
	_ =	sdelay $0x6  }
0x129: {  	s0 =	simm.s32 $0x0  }
0x12a: {  	v5 =	vld.idx.msk [tilespmem:v4+s0+$0x0], $0xffff;
	_ =	sdelay $0x4  }
0x12b: {  	s1 =	simm.s32 $0x4000;
	[tilespmem:$0xCB80] =	vst v5  }
0x12c: {  	v5 =	vld.idx.msk [tilespmem:v4+s1+$0x0], $0xffff;
	_ =	sdelay $0x3  }
0x12d: {  	v6 =	vld [tilespmem:$0xC990]  }
0x12e: {  	s2 =	simm.s32 $0x8000;
	[tilespmem:$0xCD80] =	vst v5  }
0x12f: {  	v4 =	vld.idx.msk [tilespmem:v4+s2+$0x0], $0xffff;
	_ =	sdelay $0x4  }
0x130: {  	[tilespmem:$0xCF80] =	vst v4  }
0x131: {  	v4 =	vld.idx.msk [tilespmem:v6+s0+$0x0], $0xffff;
	_ =	sdelay $0x4  }
0x132: {  	[tilespmem:$0xCB90] =	vst v4  }
0x133: {  	v4 =	vld.idx.msk [tilespmem:v6+s1+$0x0], $0xffff;
	_ =	sdelay $0x3  }
0x134: {  	v5 =	vld [tilespmem:$0xC9A0]  }
0x135: {  	[tilespmem:$0xCD90] =	vst v4  }
0x136: {  	v4 =	vld.idx.msk [tilespmem:v6+s2+$0x0], $0xffff;
	_ =	sdelay $0x4  }
0x137: {  	[tilespmem:$0xCF90] =	vst v4  }
0x138: {  	v4 =	vld.idx.msk [tilespmem:v5+s0+$0x0], $0xffff;
	_ =	sdelay $0x4  }
0x139: {  	[tilespmem:$0xCBA0] =	vst v4  }
0x13a: {  	v4 =	vld.idx.msk [tilespmem:v5+s1+$0x0], $0xffff;
	_ =	sdelay $0x3  }
0x13b: {  	v49 =	vld [tilespmem:$0xC9B0]  }
0x13c: {  	[tilespmem:$0xCDA0] =	vst v4  }
0x13d: {  	v4 =	vld.idx.msk [tilespmem:v5+s2+$0x0], $0xffff;
	_ =	sdelay $0x4  }
0x13e: {  	[tilespmem:$0xCFA0] =	vst v4  }
0x13f: {  	v4 =	vld.idx.msk [tilespmem:v49+s0+$0x0], $0xffff;
	_ =	sdelay $0x4  }
0x140: {  	[tilespmem:$0xCBB0] =	vst v4  }
0x141: {  	v4 =	vld.idx.msk [tilespmem:v49+s1+$0x0], $0xffff;
	_ =	sdelay $0x3  }
0x142: {  	v5 =	vld [tilespmem:$0xC9C0]  }
0x143: {  	[tilespmem:$0xCDB0] =	vst v4  }
0x144: {  	v4 =	vld.idx.msk [tilespmem:v49+s2+$0x0], $0xffff;
	_ =	sdelay $0x4  }
0x145: {  	[tilespmem:$0xCFB0] =	vst v4  }
0x146: {  	v4 =	vld.idx.msk [tilespmem:v5+s0+$0x0], $0xffff;
	_ =	sdelay $0x4  }
0x147: {  	[tilespmem:$0xCBC0] =	vst v4  }
0x148: {  	v4 =	vld.idx.msk [tilespmem:v5+s1+$0x0], $0xffff;
	_ =	sdelay $0x3  }
0x149: {  	v50 =	vld [tilespmem:$0xC9D0]  }
0x14a: {  	[tilespmem:$0xCDC0] =	vst v4  }
0x14b: {  	v4 =	vld.idx.msk [tilespmem:v5+s2+$0x0], $0xffff;
	_ =	sdelay $0x4  }
0x14c: {  	[tilespmem:$0xCFC0] =	vst v4  }
0x14d: {  	v4 =	vld.idx.msk [tilespmem:v50+s0+$0x0], $0xffff;
	_ =	sdelay $0x4  }
0x14e: {  	[tilespmem:$0xCBD0] =	vst v4  }
0x14f: {  	v4 =	vld.idx.msk [tilespmem:v50+s1+$0x0], $0xffff;
	_ =	sdelay $0x3  }
0x150: {  	v5 =	vld [tilespmem:$0xC9E0]  }
0x151: {  	[tilespmem:$0xCDD0] =	vst v4  }
0x152: {  	v4 =	vld.idx.msk [tilespmem:v50+s2+$0x0], $0xffff;
	_ =	sdelay $0x4  }
0x153: {  	[tilespmem:$0xCFD0] =	vst v4  }
0x154: {  	v4 =	vld.idx.msk [tilespmem:v5+s0+$0x0], $0xffff;
	_ =	sdelay $0x4  }
0x155: {  	[tilespmem:$0xCBE0] =	vst v4  }
0x156: {  	v4 =	vld.idx.msk [tilespmem:v5+s1+$0x0], $0xffff;
	_ =	sdelay $0x3  }
0x157: {  	v51 =	vld [tilespmem:$0xC9F0]  }
0x158: {  	[tilespmem:$0xCDE0] =	vst v4  }
0x159: {  	v4 =	vld.idx.msk [tilespmem:v5+s2+$0x0], $0xffff;
	_ =	sdelay $0x4  }
0x15a: {  	[tilespmem:$0xCFE0] =	vst v4  }
0x15b: {  	v4 =	vld.idx.msk [tilespmem:v51+s0+$0x0], $0xffff;
	_ =	sdelay $0x4  }
0x15c: {  	[tilespmem:$0xCBF0] =	vst v4  }
0x15d: {  	v4 =	vld.idx.msk [tilespmem:v51+s1+$0x0], $0xffff;
	_ =	sdelay $0x3  }
0x15e: {  	v5 =	vld [tilespmem:$0xCA00]  }
0x15f: {  	[tilespmem:$0xCDF0] =	vst v4  }
0x160: {  	v4 =	vld.idx.msk [tilespmem:v51+s2+$0x0], $0xffff;
	_ =	sdelay $0x4  }
0x161: {  	[tilespmem:$0xCFF0] =	vst v4  }
0x162: {  	v4 =	vld.idx.msk [tilespmem:v5+s0+$0x0], $0xffff;
	_ =	sdelay $0x4  }
0x163: {  	[tilespmem:$0xCC00] =	vst v4  }
0x164: {  	v4 =	vld.idx.msk [tilespmem:v5+s1+$0x0], $0xffff;
	_ =	sdelay $0x3  }
0x165: {  	v52 =	vld [tilespmem:$0xCA10]  }
0x166: {  	[tilespmem:$0xCE00] =	vst v4  }
0x167: {  	v4 =	vld.idx.msk [tilespmem:v5+s2+$0x0], $0xffff;
	_ =	sdelay $0x4  }
0x168: {  	[tilespmem:$0xD000] =	vst v4  }
0x169: {  	v4 =	vld.idx.msk [tilespmem:v52+s0+$0x0], $0xffff;
	_ =	sdelay $0x4  }
0x16a: {  	[tilespmem:$0xCC10] =	vst v4  }
0x16b: {  	v4 =	vld.idx.msk [tilespmem:v52+s1+$0x0], $0xffff;
	_ =	sdelay $0x3  }
0x16c: {  	v5 =	vld [tilespmem:$0xCA20]  }
0x16d: {  	[tilespmem:$0xCE10] =	vst v4  }
0x16e: {  	v4 =	vld.idx.msk [tilespmem:v52+s2+$0x0], $0xffff;
	_ =	sdelay $0x4  }
0x16f: {  	[tilespmem:$0xD010] =	vst v4  }
0x170: {  	v4 =	vld.idx.msk [tilespmem:v5+s0+$0x0], $0xffff;
	_ =	sdelay $0x4  }
0x171: {  	[tilespmem:$0xCC20] =	vst v4  }
0x172: {  	v4 =	vld.idx.msk [tilespmem:v5+s1+$0x0], $0xffff;
	_ =	sdelay $0x3  }
0x173: {  	v53 =	vld [tilespmem:$0xCA30]  }
0x174: {  	[tilespmem:$0xCE20] =	vst v4  }
0x175: {  	v4 =	vld.idx.msk [tilespmem:v5+s2+$0x0], $0xffff;
	_ =	sdelay $0x4  }
0x176: {  	[tilespmem:$0xD020] =	vst v4  }
0x177: {  	v4 =	vld.idx.msk [tilespmem:v53+s0+$0x0], $0xffff;
	_ =	sdelay $0x4  }
0x178: {  	[tilespmem:$0xCC30] =	vst v4  }
0x179: {  	v4 =	vld.idx.msk [tilespmem:v53+s1+$0x0], $0xffff;
	_ =	sdelay $0x3  }
0x17a: {  	v5 =	vld [tilespmem:$0xCA40]  }
0x17b: {  	[tilespmem:$0xCE30] =	vst v4  }
0x17c: {  	v4 =	vld.idx.msk [tilespmem:v53+s2+$0x0], $0xffff;
	_ =	sdelay $0x4  }
0x17d: {  	[tilespmem:$0xD030] =	vst v4  }
0x17e: {  	v4 =	vld.idx.msk [tilespmem:v5+s0+$0x0], $0xffff;
	_ =	sdelay $0x4  }
0x17f: {  	[tilespmem:$0xCC40] =	vst v4  }
0x180: {  	v4 =	vld.idx.msk [tilespmem:v5+s1+$0x0], $0xffff;
	_ =	sdelay $0x3  }
0x181: {  	v54 =	vld [tilespmem:$0xCA50]  }
0x182: {  	[tilespmem:$0xCE40] =	vst v4  }
0x183: {  	v4 =	vld.idx.msk [tilespmem:v5+s2+$0x0], $0xffff;
	_ =	sdelay $0x4  }
0x184: {  	[tilespmem:$0xD040] =	vst v4  }
0x185: {  	v4 =	vld.idx.msk [tilespmem:v54+s0+$0x0], $0xffff;
	_ =	sdelay $0x4  }
0x186: {  	[tilespmem:$0xCC50] =	vst v4  }
0x187: {  	v4 =	vld.idx.msk [tilespmem:v54+s1+$0x0], $0xffff;
	_ =	sdelay $0x3  }
0x188: {  	v5 =	vld [tilespmem:$0xCA60]  }
0x189: {  	[tilespmem:$0xCE50] =	vst v4  }
0x18a: {  	v4 =	vld.idx.msk [tilespmem:v54+s2+$0x0], $0xffff;
	_ =	sdelay $0x4  }
0x18b: {  	[tilespmem:$0xD050] =	vst v4  }
0x18c: {  	v4 =	vld.idx.msk [tilespmem:v5+s0+$0x0], $0xffff;
	_ =	sdelay $0x4  }
0x18d: {  	[tilespmem:$0xCC60] =	vst v4  }
0x18e: {  	v4 =	vld.idx.msk [tilespmem:v5+s1+$0x0], $0xffff;
	_ =	sdelay $0x3  }
0x18f: {  	v55 =	vld [tilespmem:$0xCA70]  }
0x190: {  	[tilespmem:$0xCE60] =	vst v4  }
0x191: {  	v4 =	vld.idx.msk [tilespmem:v5+s2+$0x0], $0xffff;
	_ =	sdelay $0x4  }
0x192: {  	[tilespmem:$0xD060] =	vst v4  }
0x193: {  	v4 =	vld.idx.msk [tilespmem:v55+s0+$0x0], $0xffff;
	_ =	sdelay $0x4  }
0x194: {  	[tilespmem:$0xCC70] =	vst v4  }
0x195: {  	v4 =	vld.idx.msk [tilespmem:v55+s1+$0x0], $0xffff;
	_ =	sdelay $0x3  }
0x196: {  	v5 =	vld [tilespmem:$0xCA80]  }
0x197: {  	[tilespmem:$0xCE70] =	vst v4  }
0x198: {  	v4 =	vld.idx.msk [tilespmem:v55+s2+$0x0], $0xffff;
	_ =	sdelay $0x4  }
0x199: {  	[tilespmem:$0xD070] =	vst v4  }
0x19a: {  	v4 =	vld.idx.msk [tilespmem:v5+s0+$0x0], $0xffff;
	_ =	sdelay $0x4  }
0x19b: {  	[tilespmem:$0xCC80] =	vst v4  }
0x19c: {  	v4 =	vld.idx.msk [tilespmem:v5+s1+$0x0], $0xffff;
	_ =	sdelay $0x3  }
0x19d: {  	v56 =	vld [tilespmem:$0xCA90]  }
0x19e: {  	[tilespmem:$0xCE80] =	vst v4  }
0x19f: {  	v4 =	vld.idx.msk [tilespmem:v5+s2+$0x0], $0xffff;
	_ =	sdelay $0x4  }
0x1a0: {  	[tilespmem:$0xD080] =	vst v4  }
0x1a1: {  	v4 =	vld.idx.msk [tilespmem:v56+s0+$0x0], $0xffff;
	_ =	sdelay $0x4  }
0x1a2: {  	[tilespmem:$0xCC90] =	vst v4  }
0x1a3: {  	v4 =	vld.idx.msk [tilespmem:v56+s1+$0x0], $0xffff;
	_ =	sdelay $0x3  }
0x1a4: {  	v5 =	vld [tilespmem:$0xCAA0]  }
0x1a5: {  	[tilespmem:$0xCE90] =	vst v4  }
0x1a6: {  	v4 =	vld.idx.msk [tilespmem:v56+s2+$0x0], $0xffff;
	_ =	sdelay $0x4  }
0x1a7: {  	[tilespmem:$0xD090] =	vst v4  }
0x1a8: {  	v4 =	vld.idx.msk [tilespmem:v5+s0+$0x0], $0xffff;
	_ =	sdelay $0x4  }
0x1a9: {  	[tilespmem:$0xCCA0] =	vst v4  }
0x1aa: {  	v4 =	vld.idx.msk [tilespmem:v5+s1+$0x0], $0xffff;
	_ =	sdelay $0x3  }
0x1ab: {  	v57 =	vld [tilespmem:$0xCAB0]  }
0x1ac: {  	[tilespmem:$0xCEA0] =	vst v4  }
0x1ad: {  	v4 =	vld.idx.msk [tilespmem:v5+s2+$0x0], $0xffff;
	_ =	sdelay $0x4  }
0x1ae: {  	[tilespmem:$0xD0A0] =	vst v4  }
0x1af: {  	v4 =	vld.idx.msk [tilespmem:v57+s0+$0x0], $0xffff;
	_ =	sdelay $0x4  }
0x1b0: {  	[tilespmem:$0xCCB0] =	vst v4  }
0x1b1: {  	v4 =	vld.idx.msk [tilespmem:v57+s1+$0x0], $0xffff;
	_ =	sdelay $0x3  }
0x1b2: {  	v5 =	vld [tilespmem:$0xCAC0]  }
0x1b3: {  	[tilespmem:$0xCEB0] =	vst v4  }
0x1b4: {  	v4 =	vld.idx.msk [tilespmem:v57+s2+$0x0], $0xffff;
	_ =	sdelay $0x4  }
0x1b5: {  	[tilespmem:$0xD0B0] =	vst v4  }
0x1b6: {  	v4 =	vld.idx.msk [tilespmem:v5+s0+$0x0], $0xffff;
	_ =	sdelay $0x4  }
0x1b7: {  	[tilespmem:$0xCCC0] =	vst v4  }
0x1b8: {  	v4 =	vld.idx.msk [tilespmem:v5+s1+$0x0], $0xffff;
	_ =	sdelay $0x3  }
0x1b9: {  	v58 =	vld [tilespmem:$0xCAD0]  }
0x1ba: {  	[tilespmem:$0xCEC0] =	vst v4  }
0x1bb: {  	v4 =	vld.idx.msk [tilespmem:v5+s2+$0x0], $0xffff;
	_ =	sdelay $0x4  }
0x1bc: {  	[tilespmem:$0xD0C0] =	vst v4  }
0x1bd: {  	v4 =	vld.idx.msk [tilespmem:v58+s0+$0x0], $0xffff;
	_ =	sdelay $0x4  }
0x1be: {  	[tilespmem:$0xCCD0] =	vst v4  }
0x1bf: {  	v4 =	vld.idx.msk [tilespmem:v58+s1+$0x0], $0xffff;
	_ =	sdelay $0x3  }
0x1c0: {  	v5 =	vld [tilespmem:$0xCAE0]  }
0x1c1: {  	[tilespmem:$0xCED0] =	vst v4  }
0x1c2: {  	v4 =	vld.idx.msk [tilespmem:v58+s2+$0x0], $0xffff;
	_ =	sdelay $0x4  }
0x1c3: {  	[tilespmem:$0xD0D0] =	vst v4  }
0x1c4: {  	v4 =	vld.idx.msk [tilespmem:v5+s0+$0x0], $0xffff;
	_ =	sdelay $0x4  }
0x1c5: {  	[tilespmem:$0xCCE0] =	vst v4  }
0x1c6: {  	v4 =	vld.idx.msk [tilespmem:v5+s1+$0x0], $0xffff;
	_ =	sdelay $0x3  }
0x1c7: {  	v59 =	vld [tilespmem:$0xCAF0]  }
0x1c8: {  	[tilespmem:$0xCEE0] =	vst v4  }
0x1c9: {  	v4 =	vld.idx.msk [tilespmem:v5+s2+$0x0], $0xffff;
	_ =	sdelay $0x4  }
0x1ca: {  	[tilespmem:$0xD0E0] =	vst v4  }
0x1cb: {  	v4 =	vld.idx.msk [tilespmem:v59+s0+$0x0], $0xffff;
	_ =	sdelay $0x4  }
0x1cc: {  	[tilespmem:$0xCCF0] =	vst v4  }
0x1cd: {  	v4 =	vld.idx.msk [tilespmem:v59+s1+$0x0], $0xffff;
	_ =	sdelay $0x3  }
0x1ce: {  	v5 =	vld [tilespmem:$0xCB00]  }
0x1cf: {  	[tilespmem:$0xCEF0] =	vst v4  }
0x1d0: {  	v4 =	vld.idx.msk [tilespmem:v59+s2+$0x0], $0xffff;
	_ =	sdelay $0x4  }
0x1d1: {  	[tilespmem:$0xD0F0] =	vst v4  }
0x1d2: {  	v4 =	vld.idx.msk [tilespmem:v5+s0+$0x0], $0xffff;
	_ =	sdelay $0x4  }
0x1d3: {  	[tilespmem:$0xCD00] =	vst v4  }
0x1d4: {  	v4 =	vld.idx.msk [tilespmem:v5+s1+$0x0], $0xffff;
	_ =	sdelay $0x3  }
0x1d5: {  	v60 =	vld [tilespmem:$0xCB10]  }
0x1d6: {  	[tilespmem:$0xCF00] =	vst v4  }
0x1d7: {  	v4 =	vld.idx.msk [tilespmem:v5+s2+$0x0], $0xffff;
	_ =	sdelay $0x4  }
0x1d8: {  	[tilespmem:$0xD100] =	vst v4  }
0x1d9: {  	v4 =	vld.idx.msk [tilespmem:v60+s0+$0x0], $0xffff;
	_ =	sdelay $0x4  }
0x1da: {  	[tilespmem:$0xCD10] =	vst v4  }
0x1db: {  	v4 =	vld.idx.msk [tilespmem:v60+s1+$0x0], $0xffff;
	_ =	sdelay $0x3  }
0x1dc: {  	v5 =	vld [tilespmem:$0xCB20]  }
0x1dd: {  	[tilespmem:$0xCF10] =	vst v4  }
0x1de: {  	v4 =	vld.idx.msk [tilespmem:v60+s2+$0x0], $0xffff;
	_ =	sdelay $0x4  }
0x1df: {  	[tilespmem:$0xD110] =	vst v4  }
0x1e0: {  	v4 =	vld.idx.msk [tilespmem:v5+s0+$0x0], $0xffff;
	_ =	sdelay $0x4  }
0x1e1: {  	[tilespmem:$0xCD20] =	vst v4  }
0x1e2: {  	v4 =	vld.idx.msk [tilespmem:v5+s1+$0x0], $0xffff;
	_ =	sdelay $0x3  }
0x1e3: {  	v61 =	vld [tilespmem:$0xCB30]  }
0x1e4: {  	[tilespmem:$0xCF20] =	vst v4  }
0x1e5: {  	v4 =	vld.idx.msk [tilespmem:v5+s2+$0x0], $0xffff;
	_ =	sdelay $0x4  }
0x1e6: {  	[tilespmem:$0xD120] =	vst v4  }
0x1e7: {  	v4 =	vld.idx.msk [tilespmem:v61+s0+$0x0], $0xffff;
	_ =	sdelay $0x4  }
0x1e8: {  	[tilespmem:$0xCD30] =	vst v4  }
0x1e9: {  	v4 =	vld.idx.msk [tilespmem:v61+s1+$0x0], $0xffff;
	_ =	sdelay $0x3  }
0x1ea: {  	v5 =	vld [tilespmem:$0xCB40]  }
0x1eb: {  	[tilespmem:$0xCF30] =	vst v4  }
0x1ec: {  	v4 =	vld.idx.msk [tilespmem:v61+s2+$0x0], $0xffff;
	_ =	sdelay $0x4  }
0x1ed: {  	[tilespmem:$0xD130] =	vst v4  }
0x1ee: {  	v4 =	vld.idx.msk [tilespmem:v5+s0+$0x0], $0xffff;
	_ =	sdelay $0x4  }
0x1ef: {  	[tilespmem:$0xCD40] =	vst v4  }
0x1f0: {  	v4 =	vld.idx.msk [tilespmem:v5+s1+$0x0], $0xffff;
	_ =	sdelay $0x3  }
0x1f1: {  	v62 =	vld [tilespmem:$0xCB50]  }
0x1f2: {  	[tilespmem:$0xCF40] =	vst v4  }
0x1f3: {  	v4 =	vld.idx.msk [tilespmem:v5+s2+$0x0], $0xffff;
	_ =	sdelay $0x4  }
0x1f4: {  	[tilespmem:$0xD140] =	vst v4  }
0x1f5: {  	v4 =	vld.idx.msk [tilespmem:v62+s0+$0x0], $0xffff;
	_ =	sdelay $0x4  }
0x1f6: {  	[tilespmem:$0xCD50] =	vst v4  }
0x1f7: {  	v4 =	vld.idx.msk [tilespmem:v62+s1+$0x0], $0xffff;
	_ =	sdelay $0x3  }
0x1f8: {  	v5 =	vld [tilespmem:$0xCB60]  }
0x1f9: {  	[tilespmem:$0xCF50] =	vst v4  }
0x1fa: {  	v4 =	vld.idx.msk [tilespmem:v62+s2+$0x0], $0xffff;
	_ =	sdelay $0x4  }
0x1fb: {  	[tilespmem:$0xD150] =	vst v4  }
0x1fc: {  	v4 =	vld.idx.msk [tilespmem:v5+s0+$0x0], $0xffff;
	_ =	sdelay $0x4  }
0x1fd: {  	[tilespmem:$0xCD60] =	vst v4  }
0x1fe: {  	v4 =	vld.idx.msk [tilespmem:v5+s1+$0x0], $0xffff;
	_ =	sdelay $0x3  }
0x1ff: {  	v63 =	vld [tilespmem:$0xCB70]  }
0x200: {  	[tilespmem:$0xCF60] =	vst v4  }
0x201: {  	v4 =	vld.idx.msk [tilespmem:v5+s2+$0x0], $0xffff;
	_ =	sdelay $0x4  }
0x202: {  	[tilespmem:$0xD160] =	vst v4  }
0x203: {  	v4 =	vld.idx.msk [tilespmem:v63+s0+$0x0], $0xffff;
	_ =	sdelay $0x4  }
0x204: {  	[tilespmem:$0xCD70] =	vst v4  }
0x205: {  	v4 =	vld.idx.msk [tilespmem:v63+s1+$0x0], $0xffff;
	_ =	sdelay $0x4  }
0x206: {  	[tilespmem:$0xCF70] =	vst v4  }
0x207: {  	v4 =	vld.idx.msk [tilespmem:v63+s2+$0x0], $0xffff;
	_ =	sdelay $0x3  }
0x208: {  	s24 =	rddreg [dreg:$0xc];
	s25 =	simm.s32 $0x80  }
0x209: {  	s26 =	simm.s32 $0x200;
	s3 =	simm.s32 $0xCB80;
	s28 =	simm.s32 $0x1;
	[tilespmem:$0xD170] =	vst v4  }
0x20a: {  	[hbm4b:s24+s25] =	stream.strided.scatter [tilespmem:s3], [sflag:$0x1], $0x200, s26, s25, $0x38;
	[tilespmem:$0xD1C0] =	vst v63  }
0x20b: {  	_ =	swait.ge [sflag:s28], $0x200  }
0x20c: {  	[sflag:s28] =	ssyncset.done $0x0  }
0x20d: {  	s4 =	simm.s32 $0xCD80;
	s29 =	rddreg [dreg:$0xd];
	[sflag:s28] =	ssyncadd.s32 $0xFFFFFE00  }
0x20e: {  	[hbm4b:s29+s25] =	stream.strided.scatter [tilespmem:s4], [sflag:$0x1], $0x200, s26, s25, $0x38;
	[tilespmem:$0xD1C0] =	vst v63  }
0x20f: {  	_ =	swait.ge [sflag:s28], $0x200  }
0x210: {  	s31 =	simm.s32 $0xCF80;
	[sflag:s28] =	ssyncset.done $0x0  }
.Ltmp6:
0x211: {  	s30 =	rddreg [dreg:$0xe];
	[sflag:s28] =	ssyncadd.s32 $0xFFFFFE00;
	(pc) =	sbr.rel .LBB2_9-.Ltmp6, $4  }
0x212: {  	[hbm4b:s30+s25] =	stream.strided.scatter [tilespmem:s31], [sflag:$0x1], $0x200, s26, s25, $0x38;
	[tilespmem:$0xD1C0] =	vst v63  }
0x213: {  	_ =	swait.ge [sflag:s28], $0x200  }
0x214: {  	[sflag:s28] =	ssyncset.done $0x0  }
0x215: {  	[sflag:s28] =	ssyncadd.s32 $0xFFFFFE00  }
.LBB2_10:
0x216: {  	_ =	sfence.sel $0x180000  }
0x217: {  	[bflag:$0x0] =	sbarrier.arrive $0xFFFF  }
0x218: {  	_ =	strace $0x90000047  }
0x219: {  	s0 =	stileid.u32;
	[bflag:$0x2] =	sbarrier.arrive $0xFFFF  }
0x21a: {  	p0 =	sne.s32 s0, $0x0;
	s0 =	rddreg [dreg:$0x7]  }
0x21b: {  	s0 =	sadd.s32 @!p0 $0x100000, s0  }
0x21c: {  	[sflag:s0] =	ssyncadd.tile.s32 @!p0 $0x1;
	_ =	shalt  }
.Lfunc_end2:
_tile_overlayer_lowered:
.L_overlay_start_2:
0x21d: {  	(tag) =	ssettag $0x2  }
0x21e: {  	s0 =	rddreg [dreg:$0x0];
	s2 =	stileid.u32  }
0x21f: {  	s1 =	rddreg [dreg:$0x1];
	p0 =	sne.s32 s2, $0x0  }
0x220: {  	s3 =	rddreg [dreg:$0x2];
	[bflag:$0x3] =	sbarrier.arrive $0xFFFF;
	s2 =	simm.s32 @!p0 $0x1C01  }
0x221: {  	[timem:s3], [sflag:s2] =	dma.local @!p0 [hbm:s0], s1  }
0x222: {  	s0 =	simm.s32 @!p0 $0x1  }
0x223: {  	_ =	swait.ge @!p0 [sflag:s0], s1  }
0x224: {  	s1 =	ssub.s32 @!p0 $0x0, s1;
	[sflag:s0] =	ssyncset.done @!p0 $0x0  }
0x225: {  	[sflag:s0] =	ssyncadd.s32 @!p0 s1  }
0x226: {  	[bflag:$0x3] =	sbarrier.arrive $0xFFFF  }
0x227: {  	_ =	shalt  }

</sc_bundles>
